<compile_context>
chip_gen: v7x
topology: tpu7x:2x2x1
jax: 0.10.2.dev20260603
libtpu: 0.0.44.dev20260713+nightly
codegen_flags: <defaults>
</compile_context>

<pallas_src>
import functools
import math

import jax
import jax.numpy as jnp
from jax import lax
from jax.experimental import pallas as pl
from jax.experimental.pallas import tpu as pltpu
from jax.experimental.pallas import tpu_sc as plsc

N_NODES = 10000
D_IN = 128
D_HID = 128
D2 = 16
NPAD = 10240
DUMMY = N_NODES
K = 128
NC = 2
NS = 16
NW = NC * NS
ROWS_PER_TILE = NPAD // NS
BM = 1024


def _sc_mesh():
    return plsc.VectorSubcoreMesh(core_axis_name="c", subcore_axis_name="s")


_SC_PARAMS = pltpu.CompilerParams(use_tc_tiling_on_sc=False)


def _make_deg_kernel(epad):
    chunks = epad // (NW * K)
    per_w = chunks * K

    @functools.partial(
        pl.kernel,
        out_type=[jax.ShapeDtypeStruct((NPAD, D2), jnp.float32),
                  jax.ShapeDtypeStruct((NPAD, D2), jnp.float32)],
        mesh=_sc_mesh(),
        compiler_params=_SC_PARAMS,
        scratch_types=[
            pltpu.VMEM((K,), jnp.int32),
            pltpu.VMEM((K, D2), jnp.float32),
            pltpu.VMEM_SHARED((NPAD, D2), jnp.float32),
        ],
    )
    def deg_kernel(dst_hbm, zeros_hbm, ones_hbm, out0, out1, didx, ones_v, shared):
        cid = lax.axis_index("c")
        sid = lax.axis_index("s")
        wid = sid * NC + cid
        base = wid * per_w
        r0 = sid * ROWS_PER_TILE

        pltpu.sync_copy(zeros_hbm.at[pl.ds(r0, ROWS_PER_TILE)],
                        shared.at[pl.ds(r0, ROWS_PER_TILE)])
        pltpu.sync_copy(ones_hbm, ones_v)
        plsc.subcore_barrier()

        @pl.loop(0, chunks)
        def _(j):
            pltpu.sync_copy(dst_hbm.at[pl.ds(base + j * K, K)], didx)
            pltpu.sync_copy(ones_v, shared.at[didx], add=True)

        plsc.subcore_barrier()

        @pl.when(cid == 0)
        def _():
            pltpu.sync_copy(shared.at[pl.ds(r0, ROWS_PER_TILE)],
                            out0.at[pl.ds(r0, ROWS_PER_TILE)])

        @pl.when(cid == 1)
        def _():
            pltpu.sync_copy(shared.at[pl.ds(r0, ROWS_PER_TILE)],
                            out1.at[pl.ds(r0, ROWS_PER_TILE)])

    return deg_kernel


def _make_agg_kernel(width, epad):
    chunks = epad // (NW * K)
    per_w = chunks * K

    @functools.partial(
        pl.kernel,
        out_type=[jax.ShapeDtypeStruct((NPAD, width), jnp.float32),
                  jax.ShapeDtypeStruct((NPAD, width), jnp.float32)],
        mesh=_sc_mesh(),
        compiler_params=_SC_PARAMS,
        scratch_types=[
            pltpu.VMEM((K,), jnp.int32),
            pltpu.VMEM((K,), jnp.int32),
            pltpu.VMEM((K, width), jnp.float32),
            pltpu.VMEM_SHARED((NPAD, width), jnp.float32),
            pltpu.SemaphoreType.DMA,
        ],
    )
    def agg_kernel(src_hbm, dst_hbm, tbl_hbm, out0, out1,
                   sidx, didx, rows, shared, sem):
        cid = lax.axis_index("c")
        sid = lax.axis_index("s")
        wid = sid * NC + cid
        base = wid * per_w
        r0 = sid * ROWS_PER_TILE

        pltpu.sync_copy(tbl_hbm.at[pl.ds(r0, ROWS_PER_TILE)],
                        shared.at[pl.ds(r0, ROWS_PER_TILE)])
        plsc.subcore_barrier()

        @pl.loop(0, chunks)
        def _(j):
            e0 = base + j * K
            pltpu.sync_copy(src_hbm.at[pl.ds(e0, K)], sidx)
            pltpu.sync_copy(dst_hbm.at[pl.ds(e0, K)], didx)
            pltpu.async_copy(tbl_hbm.at[sidx], rows, sem).wait()
            pltpu.sync_copy(rows, shared.at[didx], add=True)

        plsc.subcore_barrier()

        @pl.when(cid == 0)
        def _():
            pltpu.sync_copy(shared.at[pl.ds(r0, ROWS_PER_TILE)],
                            out0.at[pl.ds(r0, ROWS_PER_TILE)])

        @pl.when(cid == 1)
        def _():
            pltpu.sync_copy(shared.at[pl.ds(r0, ROWS_PER_TILE)],
                            out1.at[pl.ds(r0, ROWS_PER_TILE)])

    return agg_kernel


def _deg_g(d0, d1):
    return lax.rsqrt(d0[:, :1] + d1[:, :1] + 1.0)


def _mm1_body(x_ref, w_ref, d0_ref, d1_ref, o_ref):
    g = _deg_g(d0_ref[...], d1_ref[...])
    h = jnp.dot(x_ref[...], w_ref[...], preferred_element_type=jnp.float32)
    o_ref[...] = h * g


def _mid_body(p0_ref, p1_ref, h1_ref, d0_ref, d1_ref, b1_ref, w2_ref, o_ref):
    g = _deg_g(d0_ref[...], d1_ref[...])
    z = jnp.maximum(g * (p0_ref[...] + p1_ref[...] - h1_ref[...]) + b1_ref[...],
                    0.0)
    o_ref[...] = g * jnp.dot(z, w2_ref[...], preferred_element_type=jnp.float32)


def _fin_body(q0_ref, q1_ref, h2_ref, d0_ref, d1_ref, b2_ref, o_ref):
    g = _deg_g(d0_ref[...], d1_ref[...])
    o_ref[...] = g * (q0_ref[...] + q1_ref[...] - h2_ref[...]) + b2_ref[...]


def _row_spec(width):
    return pl.BlockSpec((BM, width), lambda i: (i, 0))


def _full_spec(shape):
    return pl.BlockSpec(shape, lambda i: (0,) * len(shape))


def kernel(x, edge_index, W1, b1, W2, b2):
    e = edge_index.astype(jnp.int32)
    n_edges = e.shape[1]
    epad = math.ceil(n_edges / (NW * K)) * (NW * K)
    pad = epad - n_edges
    src = jnp.concatenate([e[0], jnp.full((pad,), DUMMY, jnp.int32)])
    dst = jnp.concatenate([e[1], jnp.full((pad,), DUMMY, jnp.int32)])

    xp = jnp.zeros((NPAD, D_IN), jnp.float32).at[:x.shape[0]].set(x)
    w2p = jnp.zeros((D_HID, D2), jnp.float32).at[:, :W2.shape[1]].set(W2)
    b2p = jnp.zeros((1, D2), jnp.float32).at[0, :b2.shape[0]].set(b2)
    zeros16 = jnp.zeros((NPAD, D2), jnp.float32)
    ones16 = jnp.ones((K, D2), jnp.float32)

    grid = NPAD // BM

    d0, d1 = _make_deg_kernel(epad)(dst, zeros16, ones16)

    h1p = pl.pallas_call(
        _mm1_body,
        grid=(grid,),
        in_specs=[_row_spec(D_IN), _full_spec((D_IN, D_HID)),
                  _row_spec(D2), _row_spec(D2)],
        out_specs=_row_spec(D_HID),
        out_shape=jax.ShapeDtypeStruct((NPAD, D_HID), jnp.float32),
    )(xp, W1, d0, d1)

    p0, p1 = _make_agg_kernel(D_HID, epad)(src, dst, h1p)

    h2p = pl.pallas_call(
        _mid_body,
        grid=(grid,),
        in_specs=[_row_spec(D_HID), _row_spec(D_HID), _row_spec(D_HID),
                  _row_spec(D2), _row_spec(D2),
                  _full_spec((1, D_HID)), _full_spec((D_HID, D2))],
        out_specs=_row_spec(D2),
        out_shape=jax.ShapeDtypeStruct((NPAD, D2), jnp.float32),
    )(p0, p1, h1p, d0, d1, b1.reshape(1, D_HID), w2p)

    q0, q1 = _make_agg_kernel(D2, epad)(src, dst, h2p)

    outp = pl.pallas_call(
        _fin_body,
        grid=(grid,),
        in_specs=[_row_spec(D2), _row_spec(D2), _row_spec(D2),
                  _row_spec(D2), _row_spec(D2), _full_spec((1, D2))],
        out_specs=_row_spec(D2),
        out_shape=jax.ShapeDtypeStruct((NPAD, D2), jnp.float32),
    )(q0, q1, h2p, d0, d1, b2p)

    return outp[:x.shape[0], :W2.shape[1]]

# --- scband reference (transcript-rebuilt; emitter-appended) ---
"""Pipeline reference for scband-gcn-6871947674334 (READ-ONLY COPY).

The authoritative reference and input builder live on the scoring server;
editing this copy changes nothing except your own understanding.
"""

import jax, jax.numpy as jnp
import numpy as np

N_NODES = 10000
IN_FEATS = 128
HIDDEN_FEATS = 128
NUM_CLASSES = 2
N_EDGES = 320000


def gcn_conv(x, edge_index, W, b, num_nodes):
    # Faithful PyG GCNConv: linear transform, add self-loops, symmetric norm, scatter-add aggregate, bias
    h = x @ W
    src = edge_index[0]
    dst = edge_index[1]
    loop = jnp.arange(num_nodes, dtype=edge_index.dtype)
    src = jnp.concatenate([src, loop])
    dst = jnp.concatenate([dst, loop])
    ones = jnp.ones(src.shape[0], dtype=h.dtype)
    deg = jnp.zeros(num_nodes, dtype=h.dtype).at[dst].add(ones)
    deg_inv_sqrt = jnp.where(deg > 0, 1.0 / jnp.sqrt(deg), 0.0)
    norm = deg_inv_sqrt[src] * deg_inv_sqrt[dst]
    msg = h[src] * norm[:, None]
    out = jnp.zeros((num_nodes, h.shape[1]), dtype=h.dtype).at[dst].add(msg)
    return out + b


def setup_inputs(seed: int = 0) -> dict:
    key = jax.random.key(seed)
    k_x, k_e, k_w1, k_b1, k_w2, k_b2 = jax.random.split(key, 6)
    x = jax.random.normal(k_x, (N_NODES, IN_FEATS), dtype=jnp.float32)
    edge_index = jax.random.randint(k_e, (2, N_EDGES), 0, N_NODES, dtype=jnp.int64)
    s1 = 1.0 / np.sqrt(IN_FEATS)
    s2 = 1.0 / np.sqrt(HIDDEN_FEATS)
    W1 = jax.random.uniform(k_w1, (IN_FEATS, HIDDEN_FEATS), minval=-s1, maxval=s1, dtype=jnp.float32)
    b1 = jax.random.uniform(k_b1, (HIDDEN_FEATS,), minval=-s1, maxval=s1, dtype=jnp.float32)
    W2 = jax.random.uniform(k_w2, (HIDDEN_FEATS, NUM_CLASSES), minval=-s2, maxval=s2, dtype=jnp.float32)
    b2 = jax.random.uniform(k_b2, (NUM_CLASSES,), minval=-s2, maxval=s2, dtype=jnp.float32)
    return {"x": x, "edge_index": edge_index, "W1": W1, "b1": b1, "W2": W2, "b2": b2}


def reference(x, edge_index, W1, b1, W2, b2):
    h = gcn_conv(x, edge_index, W1, b1, N_NODES)
    h = jax.nn.relu(h)
    out = gcn_conv(h, edge_index, W2, b2, N_NODES)
    return out

if __name__ == "__main__":
    import jax
    _d = setup_inputs()
    print(jax.jit(kernel)(*tuple(_d.values())))

</pallas_src>

<mosaic_0001>
#map = affine_map<(d0, d1) -> (0)>
#map1 = affine_map<(d0, d1) -> (0, 0)>
module attributes {stable_mosaic.version = 14 : i64} {
  func.func @deg_kernel(%arg0: i32, %arg1: i32, %arg2: memref<323584xi32, #tpu.memory_space<hbm>>, %arg3: memref<10240x16xf32, #tpu.memory_space<hbm>>, %arg4: memref<128x16xf32, #tpu.memory_space<hbm>>, %arg5: memref<10240x16xf32, #tpu.memory_space<hbm>>, %arg6: memref<10240x16xf32, #tpu.memory_space<hbm>>, %arg7: memref<128xi32, #tpu.memory_space<vmem>>, %arg8: memref<128x16xf32, #tpu.memory_space<vmem>>, %arg9: memref<10240x16xf32, #tpu.memory_space<vmem_shared>>) attributes {dimension_semantics = [#tpu.dimension_semantics<core_parallel>, #tpu.dimension_semantics<subcore_parallel>], iteration_bounds = array<i64: 2, 16>, scalar_prefetch = 0 : i64, scratch_operands = 3 : i64, tpu.core_type = #tpu.core_type<sc_vector_subcore>, window_params = [{transform_indices = #map}, {transform_indices = #map1}, {transform_indices = #map1}, {transform_indices = #map1}, {transform_indices = #map1}]} {
    %mul3A = arith.constant 2 : i32
    %mul3A_0 = arith.muli %arg1, %mul3A : i32
    %add3A = arith.addi %mul3A_0, %arg0 : i32
    %mul3A_1 = arith.constant 10112 : i32
    %mul3A_2 = arith.muli %add3A, %mul3A_1 : i32
    %mul3A_3 = arith.constant 640 : i32
    %mul3A_4 = arith.muli %arg1, %mul3A_3 : i32
    "tpu.region"() ({
      %run_scoped3A = tpu.sem_alloc : memref<!tpu.dma_semaphore, #tpu.memory_space<semaphore_mem>>
      %dma_start3A = arith.constant 0 : i32
      %dma_start3A_17 = tpu.memref_slice %arg9[%mul3A_4, %dma_start3A] : memref<10240x16xf32, #tpu.memory_space<vmem_shared>> -> memref<640x16xf32, #tpu.memory_space<vmem_shared>>
      %dma_start3A_18 = arith.constant 0 : i32
      %dma_start3A_19 = tpu.memref_slice %arg3[%mul3A_4, %dma_start3A_18] : memref<10240x16xf32, #tpu.memory_space<hbm>> -> memref<640x16xf32, #tpu.memory_space<hbm>>
      tpu.enqueue_dma source(%dma_start3A_19 : memref<640x16xf32, #tpu.memory_space<hbm>>) target(%dma_start3A_17 : memref<640x16xf32, #tpu.memory_space<vmem_shared>>) target_semaphore(%run_scoped3A : memref<!tpu.dma_semaphore, #tpu.memory_space<semaphore_mem>>)
      %dma_wait3A = arith.constant 0 : i32
      %dma_wait3A_20 = tpu.memref_slice %arg9[%mul3A_4, %dma_wait3A] : memref<10240x16xf32, #tpu.memory_space<vmem_shared>> -> memref<640x16xf32, #tpu.memory_space<vmem_shared>>
      %dma_wait3A_21 = arith.constant 0 : i32
      %dma_wait3A_22 = tpu.memref_slice %arg3[%mul3A_4, %dma_wait3A_21] : memref<10240x16xf32, #tpu.memory_space<hbm>> -> memref<640x16xf32, #tpu.memory_space<hbm>>
      tpu.wait_dma2 semaphore(%run_scoped3A : memref<!tpu.dma_semaphore, #tpu.memory_space<semaphore_mem>>) src(%dma_wait3A_22 : memref<640x16xf32, #tpu.memory_space<hbm>>) dst(%dma_wait3A_20 : memref<640x16xf32, #tpu.memory_space<vmem_shared>>)
      tpu.yield
    }) : () -> ()
    "tpu.region"() ({
      %run_scoped3A = tpu.sem_alloc : memref<!tpu.dma_semaphore, #tpu.memory_space<semaphore_mem>>
      tpu.enqueue_dma source(%arg4 : memref<128x16xf32, #tpu.memory_space<hbm>>) target(%arg8 : memref<128x16xf32, #tpu.memory_space<vmem>>) target_semaphore(%run_scoped3A : memref<!tpu.dma_semaphore, #tpu.memory_space<semaphore_mem>>)
      tpu.wait_dma2 semaphore(%run_scoped3A : memref<!tpu.dma_semaphore, #tpu.memory_space<semaphore_mem>>) src(%arg4 : memref<128x16xf32, #tpu.memory_space<hbm>>) dst(%arg8 : memref<128x16xf32, #tpu.memory_space<vmem>>)
      tpu.yield
    }) : () -> ()
    %barrier3A = arith.constant 0 : index
    tpu.barrier barrier_id(%barrier3A)
    %scan3A = arith.constant 0 : i32
    %scan3A_5 = arith.constant 79 : i32
    %scan3A_6 = arith.addi %scan3A, %scan3A_5 : i32
    %scan3A_7 = arith.constant 1 : i32
    scf.for %scan3A_17 = %scan3A to %scan3A_6 step %scan3A_7  : i32 {
      %mul3A_18 = arith.constant 1 : i32
      %mul3A_19 = arith.muli %scan3A_17, %mul3A_18 : i32
      %add3A_20 = arith.constant 0 : i32
      %add3A_21 = arith.addi %add3A_20, %mul3A_19 : i32
      %mul3A_22 = arith.constant 128 : i32
      %mul3A_23 = arith.muli %add3A_21, %mul3A_22 : i32
      %add3A_24 = arith.addi %mul3A_2, %mul3A_23 : i32
      "tpu.region"() ({
        %run_scoped3A = tpu.sem_alloc : memref<!tpu.dma_semaphore, #tpu.memory_space<semaphore_mem>>
        %dma_start3A = tpu.memref_slice %arg2[%add3A_24] : memref<323584xi32, #tpu.memory_space<hbm>> -> memref<128xi32, #tpu.memory_space<hbm>>
        %dma_start3A_25 = tpu.memref_slice %arg2[%add3A_24] : memref<323584xi32, #tpu.memory_space<hbm>> -> memref<128xi32, #tpu.memory_space<hbm>>
        tpu.enqueue_dma source(%dma_start3A_25 : memref<128xi32, #tpu.memory_space<hbm>>) target(%arg7 : memref<128xi32, #tpu.memory_space<vmem>>) target_semaphore(%run_scoped3A : memref<!tpu.dma_semaphore, #tpu.memory_space<semaphore_mem>>)
        %dma_wait3A = tpu.memref_slice %arg2[%add3A_24] : memref<323584xi32, #tpu.memory_space<hbm>> -> memref<128xi32, #tpu.memory_space<hbm>>
        %dma_wait3A_26 = tpu.memref_slice %arg2[%add3A_24] : memref<323584xi32, #tpu.memory_space<hbm>> -> memref<128xi32, #tpu.memory_space<hbm>>
        tpu.wait_dma2 semaphore(%run_scoped3A : memref<!tpu.dma_semaphore, #tpu.memory_space<semaphore_mem>>) src(%dma_wait3A_26 : memref<128xi32, #tpu.memory_space<hbm>>) dst(%arg7 : memref<128xi32, #tpu.memory_space<vmem>>)
        tpu.yield
      }) : () -> ()
      "tpu.region"() ({
        %run_scoped3A = tpu.sem_alloc : memref<!tpu.dma_semaphore, #tpu.memory_space<semaphore_mem>>
        %dma_start3A = arith.constant 0 : i32
        %dma_start3A_25 = arith.constant 0 : i32
        %dma_start3A_26 = tpu.memref_slice %arg9[%dma_start3A, %dma_start3A_25] : memref<10240x16xf32, #tpu.memory_space<vmem_shared>> -> memref<10240x16xf32, #tpu.memory_space<vmem_shared>>
        tpu.enqueue_indirect_dma source(%arg8 : memref<128x16xf32, #tpu.memory_space<vmem>>) target(%dma_start3A_26 : memref<10240x16xf32, #tpu.memory_space<vmem_shared>>) offsets(%arg7 : memref<128xi32, #tpu.memory_space<vmem>>) semaphore(%run_scoped3A : memref<!tpu.dma_semaphore, #tpu.memory_space<semaphore_mem>>) {add = true}
        %dma_wait3A = arith.constant 0 : i32
        %dma_wait3A_27 = arith.constant 0 : i32
        %dma_wait3A_28 = tpu.memref_slice %arg9[%dma_wait3A, %dma_wait3A_27] : memref<10240x16xf32, #tpu.memory_space<vmem_shared>> -> memref<10240x16xf32, #tpu.memory_space<vmem_shared>>
        tpu.wait_indirect_dma semaphore(%run_scoped3A : memref<!tpu.dma_semaphore, #tpu.memory_space<semaphore_mem>>) src(%arg8 : memref<128x16xf32, #tpu.memory_space<vmem>>) dst(%dma_wait3A_28 : memref<10240x16xf32, #tpu.memory_space<vmem_shared>>)
        tpu.yield
      }) : () -> ()
    }
    %scan3A_8 = arith.constant 79 : i32
    %barrier3A_9 = arith.constant 0 : index
    tpu.barrier barrier_id(%barrier3A_9)
    %eq3A = arith.constant 0 : i32
    %eq3A_10 = arith.cmpi eq, %arg0, %eq3A : i32
    %convert_element_type3A = arith.extui %eq3A_10 : i1 to i32
    %cond3A = arith.constant 0 : i32
    %cond3A_11 = arith.cmpi ne, %convert_element_type3A, %cond3A : i32
    scf.if %cond3A_11 {
      "tpu.region"() ({
        %run_scoped3A = tpu.sem_alloc : memref<!tpu.dma_semaphore, #tpu.memory_space<semaphore_mem>>
        %dma_start3A = arith.constant 0 : i32
        %dma_start3A_17 = tpu.memref_slice %arg5[%mul3A_4, %dma_start3A] : memref<10240x16xf32, #tpu.memory_space<hbm>> -> memref<640x16xf32, #tpu.memory_space<hbm>>
        %dma_start3A_18 = arith.constant 0 : i32
        %dma_start3A_19 = tpu.memref_slice %arg9[%mul3A_4, %dma_start3A_18] : memref<10240x16xf32, #tpu.memory_space<vmem_shared>> -> memref<640x16xf32, #tpu.memory_space<vmem_shared>>
        tpu.enqueue_dma source(%dma_start3A_19 : memref<640x16xf32, #tpu.memory_space<vmem_shared>>) target(%dma_start3A_17 : memref<640x16xf32, #tpu.memory_space<hbm>>) target_semaphore(%run_scoped3A : memref<!tpu.dma_semaphore, #tpu.memory_space<semaphore_mem>>)
        %dma_wait3A = arith.constant 0 : i32
        %dma_wait3A_20 = tpu.memref_slice %arg5[%mul3A_4, %dma_wait3A] : memref<10240x16xf32, #tpu.memory_space<hbm>> -> memref<640x16xf32, #tpu.memory_space<hbm>>
        %dma_wait3A_21 = arith.constant 0 : i32
        %dma_wait3A_22 = tpu.memref_slice %arg9[%mul3A_4, %dma_wait3A_21] : memref<10240x16xf32, #tpu.memory_space<vmem_shared>> -> memref<640x16xf32, #tpu.memory_space<vmem_shared>>
        tpu.wait_dma2 semaphore(%run_scoped3A : memref<!tpu.dma_semaphore, #tpu.memory_space<semaphore_mem>>) src(%dma_wait3A_22 : memref<640x16xf32, #tpu.memory_space<vmem_shared>>) dst(%dma_wait3A_20 : memref<640x16xf32, #tpu.memory_space<hbm>>)
        tpu.yield
      }) : () -> ()
    } else {
    }
    %eq3A_12 = arith.constant 1 : i32
    %eq3A_13 = arith.cmpi eq, %arg0, %eq3A_12 : i32
    %convert_element_type3A_14 = arith.extui %eq3A_13 : i1 to i32
    %cond3A_15 = arith.constant 0 : i32
    %cond3A_16 = arith.cmpi ne, %convert_element_type3A_14, %cond3A_15 : i32
    scf.if %cond3A_16 {
      "tpu.region"() ({
        %run_scoped3A = tpu.sem_alloc : memref<!tpu.dma_semaphore, #tpu.memory_space<semaphore_mem>>
        %dma_start3A = arith.constant 0 : i32
        %dma_start3A_17 = tpu.memref_slice %arg6[%mul3A_4, %dma_start3A] : memref<10240x16xf32, #tpu.memory_space<hbm>> -> memref<640x16xf32, #tpu.memory_space<hbm>>
        %dma_start3A_18 = arith.constant 0 : i32
        %dma_start3A_19 = tpu.memref_slice %arg9[%mul3A_4, %dma_start3A_18] : memref<10240x16xf32, #tpu.memory_space<vmem_shared>> -> memref<640x16xf32, #tpu.memory_space<vmem_shared>>
        tpu.enqueue_dma source(%dma_start3A_19 : memref<640x16xf32, #tpu.memory_space<vmem_shared>>) target(%dma_start3A_17 : memref<640x16xf32, #tpu.memory_space<hbm>>) target_semaphore(%run_scoped3A : memref<!tpu.dma_semaphore, #tpu.memory_space<semaphore_mem>>)
        %dma_wait3A = arith.constant 0 : i32
        %dma_wait3A_20 = tpu.memref_slice %arg6[%mul3A_4, %dma_wait3A] : memref<10240x16xf32, #tpu.memory_space<hbm>> -> memref<640x16xf32, #tpu.memory_space<hbm>>
        %dma_wait3A_21 = arith.constant 0 : i32
        %dma_wait3A_22 = tpu.memref_slice %arg9[%mul3A_4, %dma_wait3A_21] : memref<10240x16xf32, #tpu.memory_space<vmem_shared>> -> memref<640x16xf32, #tpu.memory_space<vmem_shared>>
        tpu.wait_dma2 semaphore(%run_scoped3A : memref<!tpu.dma_semaphore, #tpu.memory_space<semaphore_mem>>) src(%dma_wait3A_22 : memref<640x16xf32, #tpu.memory_space<vmem_shared>>) dst(%dma_wait3A_20 : memref<640x16xf32, #tpu.memory_space<hbm>>)
        tpu.yield
      }) : () -> ()
    } else {
    }
    return
  }
}

#map = affine_map<(d0, d1) -> (0)>
#map1 = affine_map<(d0, d1) -> (0, 0)>
module attributes {stable_mosaic.version = 14 : i64} {
  func.func @agg_kernel(%arg0: i32, %arg1: i32, %arg2: memref<323584xi32, #tpu.memory_space<hbm>>, %arg3: memref<323584xi32, #tpu.memory_space<hbm>>, %arg4: memref<10240x128xf32, #tpu.memory_space<hbm>>, %arg5: memref<10240x128xf32, #tpu.memory_space<hbm>>, %arg6: memref<10240x128xf32, #tpu.memory_space<hbm>>, %arg7: memref<128xi32, #tpu.memory_space<vmem>>, %arg8: memref<128xi32, #tpu.memory_space<vmem>>, %arg9: memref<128x128xf32, #tpu.memory_space<vmem>>, %arg10: memref<10240x128xf32, #tpu.memory_space<vmem_shared>>, %arg11: memref<!tpu.dma_semaphore, #tpu.memory_space<semaphore_mem>>) attributes {dimension_semantics = [#tpu.dimension_semantics<core_parallel>, #tpu.dimension_semantics<subcore_parallel>], iteration_bounds = array<i64: 2, 16>, scalar_prefetch = 0 : i64, scratch_operands = 5 : i64, tpu.core_type = #tpu.core_type<sc_vector_subcore>, window_params = [{transform_indices = #map}, {transform_indices = #map}, {transform_indices = #map1}, {transform_indices = #map1}, {transform_indices = #map1}]} {
    %mul3A = arith.constant 2 : i32
    %mul3A_0 = arith.muli %arg1, %mul3A : i32
    %add3A = arith.addi %mul3A_0, %arg0 : i32
    %mul3A_1 = arith.constant 10112 : i32
    %mul3A_2 = arith.muli %add3A, %mul3A_1 : i32
    %mul3A_3 = arith.constant 640 : i32
    %mul3A_4 = arith.muli %arg1, %mul3A_3 : i32
    "tpu.region"() ({
      %run_scoped3A = tpu.sem_alloc : memref<!tpu.dma_semaphore, #tpu.memory_space<semaphore_mem>>
      %dma_start3A = arith.constant 0 : i32
      %dma_start3A_17 = tpu.memref_slice %arg10[%mul3A_4, %dma_start3A] : memref<10240x128xf32, #tpu.memory_space<vmem_shared>> -> memref<640x128xf32, #tpu.memory_space<vmem_shared>>
      %dma_start3A_18 = arith.constant 0 : i32
      %dma_start3A_19 = tpu.memref_slice %arg4[%mul3A_4, %dma_start3A_18] : memref<10240x128xf32, #tpu.memory_space<hbm>> -> memref<640x128xf32, #tpu.memory_space<hbm>>
      tpu.enqueue_dma source(%dma_start3A_19 : memref<640x128xf32, #tpu.memory_space<hbm>>) target(%dma_start3A_17 : memref<640x128xf32, #tpu.memory_space<vmem_shared>>) target_semaphore(%run_scoped3A : memref<!tpu.dma_semaphore, #tpu.memory_space<semaphore_mem>>)
      %dma_wait3A = arith.constant 0 : i32
      %dma_wait3A_20 = tpu.memref_slice %arg10[%mul3A_4, %dma_wait3A] : memref<10240x128xf32, #tpu.memory_space<vmem_shared>> -> memref<640x128xf32, #tpu.memory_space<vmem_shared>>
      %dma_wait3A_21 = arith.constant 0 : i32
      %dma_wait3A_22 = tpu.memref_slice %arg4[%mul3A_4, %dma_wait3A_21] : memref<10240x128xf32, #tpu.memory_space<hbm>> -> memref<640x128xf32, #tpu.memory_space<hbm>>
      tpu.wait_dma2 semaphore(%run_scoped3A : memref<!tpu.dma_semaphore, #tpu.memory_space<semaphore_mem>>) src(%dma_wait3A_22 : memref<640x128xf32, #tpu.memory_space<hbm>>) dst(%dma_wait3A_20 : memref<640x128xf32, #tpu.memory_space<vmem_shared>>)
      tpu.yield
    }) : () -> ()
    %barrier3A = arith.constant 0 : index
    tpu.barrier barrier_id(%barrier3A)
    %scan3A = arith.constant 0 : i32
    %scan3A_5 = arith.constant 79 : i32
    %scan3A_6 = arith.addi %scan3A, %scan3A_5 : i32
    %scan3A_7 = arith.constant 1 : i32
    scf.for %scan3A_17 = %scan3A to %scan3A_6 step %scan3A_7  : i32 {
      %mul3A_18 = arith.constant 1 : i32
      %mul3A_19 = arith.muli %scan3A_17, %mul3A_18 : i32
      %add3A_20 = arith.constant 0 : i32
      %add3A_21 = arith.addi %add3A_20, %mul3A_19 : i32
      %mul3A_22 = arith.constant 128 : i32
      %mul3A_23 = arith.muli %add3A_21, %mul3A_22 : i32
      %add3A_24 = arith.addi %mul3A_2, %mul3A_23 : i32
      "tpu.region"() ({
        %run_scoped3A = tpu.sem_alloc : memref<!tpu.dma_semaphore, #tpu.memory_space<semaphore_mem>>
        %dma_start3A_29 = tpu.memref_slice %arg2[%add3A_24] : memref<323584xi32, #tpu.memory_space<hbm>> -> memref<128xi32, #tpu.memory_space<hbm>>
        %dma_start3A_30 = tpu.memref_slice %arg2[%add3A_24] : memref<323584xi32, #tpu.memory_space<hbm>> -> memref<128xi32, #tpu.memory_space<hbm>>
        tpu.enqueue_dma source(%dma_start3A_30 : memref<128xi32, #tpu.memory_space<hbm>>) target(%arg7 : memref<128xi32, #tpu.memory_space<vmem>>) target_semaphore(%run_scoped3A : memref<!tpu.dma_semaphore, #tpu.memory_space<semaphore_mem>>)
        %dma_wait3A_31 = tpu.memref_slice %arg2[%add3A_24] : memref<323584xi32, #tpu.memory_space<hbm>> -> memref<128xi32, #tpu.memory_space<hbm>>
        %dma_wait3A_32 = tpu.memref_slice %arg2[%add3A_24] : memref<323584xi32, #tpu.memory_space<hbm>> -> memref<128xi32, #tpu.memory_space<hbm>>
        tpu.wait_dma2 semaphore(%run_scoped3A : memref<!tpu.dma_semaphore, #tpu.memory_space<semaphore_mem>>) src(%dma_wait3A_32 : memref<128xi32, #tpu.memory_space<hbm>>) dst(%arg7 : memref<128xi32, #tpu.memory_space<vmem>>)
        tpu.yield
      }) : () -> ()
      "tpu.region"() ({
        %run_scoped3A = tpu.sem_alloc : memref<!tpu.dma_semaphore, #tpu.memory_space<semaphore_mem>>
        %dma_start3A_29 = tpu.memref_slice %arg3[%add3A_24] : memref<323584xi32, #tpu.memory_space<hbm>> -> memref<128xi32, #tpu.memory_space<hbm>>
        %dma_start3A_30 = tpu.memref_slice %arg3[%add3A_24] : memref<323584xi32, #tpu.memory_space<hbm>> -> memref<128xi32, #tpu.memory_space<hbm>>
        tpu.enqueue_dma source(%dma_start3A_30 : memref<128xi32, #tpu.memory_space<hbm>>) target(%arg8 : memref<128xi32, #tpu.memory_space<vmem>>) target_semaphore(%run_scoped3A : memref<!tpu.dma_semaphore, #tpu.memory_space<semaphore_mem>>)
        %dma_wait3A_31 = tpu.memref_slice %arg3[%add3A_24] : memref<323584xi32, #tpu.memory_space<hbm>> -> memref<128xi32, #tpu.memory_space<hbm>>
        %dma_wait3A_32 = tpu.memref_slice %arg3[%add3A_24] : memref<323584xi32, #tpu.memory_space<hbm>> -> memref<128xi32, #tpu.memory_space<hbm>>
        tpu.wait_dma2 semaphore(%run_scoped3A : memref<!tpu.dma_semaphore, #tpu.memory_space<semaphore_mem>>) src(%dma_wait3A_32 : memref<128xi32, #tpu.memory_space<hbm>>) dst(%arg8 : memref<128xi32, #tpu.memory_space<vmem>>)
        tpu.yield
      }) : () -> ()
      %dma_start3A = arith.constant 0 : i32
      %dma_start3A_25 = arith.constant 0 : i32
      %dma_start3A_26 = tpu.memref_slice %arg4[%dma_start3A, %dma_start3A_25] : memref<10240x128xf32, #tpu.memory_space<hbm>> -> memref<10240x128xf32, #tpu.memory_space<hbm>>
      tpu.enqueue_indirect_dma source(%dma_start3A_26 : memref<10240x128xf32, #tpu.memory_space<hbm>>) target(%arg9 : memref<128x128xf32, #tpu.memory_space<vmem>>) offsets(%arg7 : memref<128xi32, #tpu.memory_space<vmem>>) semaphore(%arg11 : memref<!tpu.dma_semaphore, #tpu.memory_space<semaphore_mem>>)
      %dma_wait3A = arith.constant 0 : i32
      %dma_wait3A_27 = arith.constant 0 : i32
      %dma_wait3A_28 = tpu.memref_slice %arg4[%dma_wait3A, %dma_wait3A_27] : memref<10240x128xf32, #tpu.memory_space<hbm>> -> memref<10240x128xf32, #tpu.memory_space<hbm>>
      tpu.wait_indirect_dma semaphore(%arg11 : memref<!tpu.dma_semaphore, #tpu.memory_space<semaphore_mem>>) src(%dma_wait3A_28 : memref<10240x128xf32, #tpu.memory_space<hbm>>) dst(%arg9 : memref<128x128xf32, #tpu.memory_space<vmem>>)
      "tpu.region"() ({
        %run_scoped3A = tpu.sem_alloc : memref<!tpu.dma_semaphore, #tpu.memory_space<semaphore_mem>>
        %dma_start3A_29 = arith.constant 0 : i32
        %dma_start3A_30 = arith.constant 0 : i32
        %dma_start3A_31 = tpu.memref_slice %arg10[%dma_start3A_29, %dma_start3A_30] : memref<10240x128xf32, #tpu.memory_space<vmem_shared>> -> memref<10240x128xf32, #tpu.memory_space<vmem_shared>>
        tpu.enqueue_indirect_dma source(%arg9 : memref<128x128xf32, #tpu.memory_space<vmem>>) target(%dma_start3A_31 : memref<10240x128xf32, #tpu.memory_space<vmem_shared>>) offsets(%arg8 : memref<128xi32, #tpu.memory_space<vmem>>) semaphore(%run_scoped3A : memref<!tpu.dma_semaphore, #tpu.memory_space<semaphore_mem>>) {add = true}
        %dma_wait3A_32 = arith.constant 0 : i32
        %dma_wait3A_33 = arith.constant 0 : i32
        %dma_wait3A_34 = tpu.memref_slice %arg10[%dma_wait3A_32, %dma_wait3A_33] : memref<10240x128xf32, #tpu.memory_space<vmem_shared>> -> memref<10240x128xf32, #tpu.memory_space<vmem_shared>>
        tpu.wait_indirect_dma semaphore(%run_scoped3A : memref<!tpu.dma_semaphore, #tpu.memory_space<semaphore_mem>>) src(%arg9 : memref<128x128xf32, #tpu.memory_space<vmem>>) dst(%dma_wait3A_34 : memref<10240x128xf32, #tpu.memory_space<vmem_shared>>)
        tpu.yield
      }) : () -> ()
    }
    %scan3A_8 = arith.constant 79 : i32
    %barrier3A_9 = arith.constant 0 : index
    tpu.barrier barrier_id(%barrier3A_9)
    %eq3A = arith.constant 0 : i32
    %eq3A_10 = arith.cmpi eq, %arg0, %eq3A : i32
    %convert_element_type3A = arith.extui %eq3A_10 : i1 to i32
    %cond3A = arith.constant 0 : i32
    %cond3A_11 = arith.cmpi ne, %convert_element_type3A, %cond3A : i32
    scf.if %cond3A_11 {
      "tpu.region"() ({
        %run_scoped3A = tpu.sem_alloc : memref<!tpu.dma_semaphore, #tpu.memory_space<semaphore_mem>>
        %dma_start3A = arith.constant 0 : i32
        %dma_start3A_17 = tpu.memref_slice %arg5[%mul3A_4, %dma_start3A] : memref<10240x128xf32, #tpu.memory_space<hbm>> -> memref<640x128xf32, #tpu.memory_space<hbm>>
        %dma_start3A_18 = arith.constant 0 : i32
        %dma_start3A_19 = tpu.memref_slice %arg10[%mul3A_4, %dma_start3A_18] : memref<10240x128xf32, #tpu.memory_space<vmem_shared>> -> memref<640x128xf32, #tpu.memory_space<vmem_shared>>
        tpu.enqueue_dma source(%dma_start3A_19 : memref<640x128xf32, #tpu.memory_space<vmem_shared>>) target(%dma_start3A_17 : memref<640x128xf32, #tpu.memory_space<hbm>>) target_semaphore(%run_scoped3A : memref<!tpu.dma_semaphore, #tpu.memory_space<semaphore_mem>>)
        %dma_wait3A = arith.constant 0 : i32
        %dma_wait3A_20 = tpu.memref_slice %arg5[%mul3A_4, %dma_wait3A] : memref<10240x128xf32, #tpu.memory_space<hbm>> -> memref<640x128xf32, #tpu.memory_space<hbm>>
        %dma_wait3A_21 = arith.constant 0 : i32
        %dma_wait3A_22 = tpu.memref_slice %arg10[%mul3A_4, %dma_wait3A_21] : memref<10240x128xf32, #tpu.memory_space<vmem_shared>> -> memref<640x128xf32, #tpu.memory_space<vmem_shared>>
        tpu.wait_dma2 semaphore(%run_scoped3A : memref<!tpu.dma_semaphore, #tpu.memory_space<semaphore_mem>>) src(%dma_wait3A_22 : memref<640x128xf32, #tpu.memory_space<vmem_shared>>) dst(%dma_wait3A_20 : memref<640x128xf32, #tpu.memory_space<hbm>>)
        tpu.yield
      }) : () -> ()
    } else {
    }
    %eq3A_12 = arith.constant 1 : i32
    %eq3A_13 = arith.cmpi eq, %arg0, %eq3A_12 : i32
    %convert_element_type3A_14 = arith.extui %eq3A_13 : i1 to i32
    %cond3A_15 = arith.constant 0 : i32
    %cond3A_16 = arith.cmpi ne, %convert_element_type3A_14, %cond3A_15 : i32
    scf.if %cond3A_16 {
      "tpu.region"() ({
        %run_scoped3A = tpu.sem_alloc : memref<!tpu.dma_semaphore, #tpu.memory_space<semaphore_mem>>
        %dma_start3A = arith.constant 0 : i32
        %dma_start3A_17 = tpu.memref_slice %arg6[%mul3A_4, %dma_start3A] : memref<10240x128xf32, #tpu.memory_space<hbm>> -> memref<640x128xf32, #tpu.memory_space<hbm>>
        %dma_start3A_18 = arith.constant 0 : i32
        %dma_start3A_19 = tpu.memref_slice %arg10[%mul3A_4, %dma_start3A_18] : memref<10240x128xf32, #tpu.memory_space<vmem_shared>> -> memref<640x128xf32, #tpu.memory_space<vmem_shared>>
        tpu.enqueue_dma source(%dma_start3A_19 : memref<640x128xf32, #tpu.memory_space<vmem_shared>>) target(%dma_start3A_17 : memref<640x128xf32, #tpu.memory_space<hbm>>) target_semaphore(%run_scoped3A : memref<!tpu.dma_semaphore, #tpu.memory_space<semaphore_mem>>)
        %dma_wait3A = arith.constant 0 : i32
        %dma_wait3A_20 = tpu.memref_slice %arg6[%mul3A_4, %dma_wait3A] : memref<10240x128xf32, #tpu.memory_space<hbm>> -> memref<640x128xf32, #tpu.memory_space<hbm>>
        %dma_wait3A_21 = arith.constant 0 : i32
        %dma_wait3A_22 = tpu.memref_slice %arg10[%mul3A_4, %dma_wait3A_21] : memref<10240x128xf32, #tpu.memory_space<vmem_shared>> -> memref<640x128xf32, #tpu.memory_space<vmem_shared>>
        tpu.wait_dma2 semaphore(%run_scoped3A : memref<!tpu.dma_semaphore, #tpu.memory_space<semaphore_mem>>) src(%dma_wait3A_22 : memref<640x128xf32, #tpu.memory_space<vmem_shared>>) dst(%dma_wait3A_20 : memref<640x128xf32, #tpu.memory_space<hbm>>)
        tpu.yield
      }) : () -> ()
    } else {
    }
    return
  }
}

#map = affine_map<(d0, d1) -> (0)>
#map1 = affine_map<(d0, d1) -> (0, 0)>
module attributes {stable_mosaic.version = 14 : i64} {
  func.func @agg_kernel(%arg0: i32, %arg1: i32, %arg2: memref<323584xi32, #tpu.memory_space<hbm>>, %arg3: memref<323584xi32, #tpu.memory_space<hbm>>, %arg4: memref<10240x16xf32, #tpu.memory_space<hbm>>, %arg5: memref<10240x16xf32, #tpu.memory_space<hbm>>, %arg6: memref<10240x16xf32, #tpu.memory_space<hbm>>, %arg7: memref<128xi32, #tpu.memory_space<vmem>>, %arg8: memref<128xi32, #tpu.memory_space<vmem>>, %arg9: memref<128x16xf32, #tpu.memory_space<vmem>>, %arg10: memref<10240x16xf32, #tpu.memory_space<vmem_shared>>, %arg11: memref<!tpu.dma_semaphore, #tpu.memory_space<semaphore_mem>>) attributes {dimension_semantics = [#tpu.dimension_semantics<core_parallel>, #tpu.dimension_semantics<subcore_parallel>], iteration_bounds = array<i64: 2, 16>, scalar_prefetch = 0 : i64, scratch_operands = 5 : i64, tpu.core_type = #tpu.core_type<sc_vector_subcore>, window_params = [{transform_indices = #map}, {transform_indices = #map}, {transform_indices = #map1}, {transform_indices = #map1}, {transform_indices = #map1}]} {
    %mul3A = arith.constant 2 : i32
    %mul3A_0 = arith.muli %arg1, %mul3A : i32
    %add3A = arith.addi %mul3A_0, %arg0 : i32
    %mul3A_1 = arith.constant 10112 : i32
    %mul3A_2 = arith.muli %add3A, %mul3A_1 : i32
    %mul3A_3 = arith.constant 640 : i32
    %mul3A_4 = arith.muli %arg1, %mul3A_3 : i32
    "tpu.region"() ({
      %run_scoped3A = tpu.sem_alloc : memref<!tpu.dma_semaphore, #tpu.memory_space<semaphore_mem>>
      %dma_start3A = arith.constant 0 : i32
      %dma_start3A_17 = tpu.memref_slice %arg10[%mul3A_4, %dma_start3A] : memref<10240x16xf32, #tpu.memory_space<vmem_shared>> -> memref<640x16xf32, #tpu.memory_space<vmem_shared>>
      %dma_start3A_18 = arith.constant 0 : i32
      %dma_start3A_19 = tpu.memref_slice %arg4[%mul3A_4, %dma_start3A_18] : memref<10240x16xf32, #tpu.memory_space<hbm>> -> memref<640x16xf32, #tpu.memory_space<hbm>>
      tpu.enqueue_dma source(%dma_start3A_19 : memref<640x16xf32, #tpu.memory_space<hbm>>) target(%dma_start3A_17 : memref<640x16xf32, #tpu.memory_space<vmem_shared>>) target_semaphore(%run_scoped3A : memref<!tpu.dma_semaphore, #tpu.memory_space<semaphore_mem>>)
      %dma_wait3A = arith.constant 0 : i32
      %dma_wait3A_20 = tpu.memref_slice %arg10[%mul3A_4, %dma_wait3A] : memref<10240x16xf32, #tpu.memory_space<vmem_shared>> -> memref<640x16xf32, #tpu.memory_space<vmem_shared>>
      %dma_wait3A_21 = arith.constant 0 : i32
      %dma_wait3A_22 = tpu.memref_slice %arg4[%mul3A_4, %dma_wait3A_21] : memref<10240x16xf32, #tpu.memory_space<hbm>> -> memref<640x16xf32, #tpu.memory_space<hbm>>
      tpu.wait_dma2 semaphore(%run_scoped3A : memref<!tpu.dma_semaphore, #tpu.memory_space<semaphore_mem>>) src(%dma_wait3A_22 : memref<640x16xf32, #tpu.memory_space<hbm>>) dst(%dma_wait3A_20 : memref<640x16xf32, #tpu.memory_space<vmem_shared>>)
      tpu.yield
    }) : () -> ()
    %barrier3A = arith.constant 0 : index
    tpu.barrier barrier_id(%barrier3A)
    %scan3A = arith.constant 0 : i32
    %scan3A_5 = arith.constant 79 : i32
    %scan3A_6 = arith.addi %scan3A, %scan3A_5 : i32
    %scan3A_7 = arith.constant 1 : i32
    scf.for %scan3A_17 = %scan3A to %scan3A_6 step %scan3A_7  : i32 {
      %mul3A_18 = arith.constant 1 : i32
      %mul3A_19 = arith.muli %scan3A_17, %mul3A_18 : i32
      %add3A_20 = arith.constant 0 : i32
      %add3A_21 = arith.addi %add3A_20, %mul3A_19 : i32
      %mul3A_22 = arith.constant 128 : i32
      %mul3A_23 = arith.muli %add3A_21, %mul3A_22 : i32
      %add3A_24 = arith.addi %mul3A_2, %mul3A_23 : i32
      "tpu.region"() ({
        %run_scoped3A = tpu.sem_alloc : memref<!tpu.dma_semaphore, #tpu.memory_space<semaphore_mem>>
        %dma_start3A_29 = tpu.memref_slice %arg2[%add3A_24] : memref<323584xi32, #tpu.memory_space<hbm>> -> memref<128xi32, #tpu.memory_space<hbm>>
        %dma_start3A_30 = tpu.memref_slice %arg2[%add3A_24] : memref<323584xi32, #tpu.memory_space<hbm>> -> memref<128xi32, #tpu.memory_space<hbm>>
        tpu.enqueue_dma source(%dma_start3A_30 : memref<128xi32, #tpu.memory_space<hbm>>) target(%arg7 : memref<128xi32, #tpu.memory_space<vmem>>) target_semaphore(%run_scoped3A : memref<!tpu.dma_semaphore, #tpu.memory_space<semaphore_mem>>)
        %dma_wait3A_31 = tpu.memref_slice %arg2[%add3A_24] : memref<323584xi32, #tpu.memory_space<hbm>> -> memref<128xi32, #tpu.memory_space<hbm>>
        %dma_wait3A_32 = tpu.memref_slice %arg2[%add3A_24] : memref<323584xi32, #tpu.memory_space<hbm>> -> memref<128xi32, #tpu.memory_space<hbm>>
        tpu.wait_dma2 semaphore(%run_scoped3A : memref<!tpu.dma_semaphore, #tpu.memory_space<semaphore_mem>>) src(%dma_wait3A_32 : memref<128xi32, #tpu.memory_space<hbm>>) dst(%arg7 : memref<128xi32, #tpu.memory_space<vmem>>)
        tpu.yield
      }) : () -> ()
      "tpu.region"() ({
        %run_scoped3A = tpu.sem_alloc : memref<!tpu.dma_semaphore, #tpu.memory_space<semaphore_mem>>
        %dma_start3A_29 = tpu.memref_slice %arg3[%add3A_24] : memref<323584xi32, #tpu.memory_space<hbm>> -> memref<128xi32, #tpu.memory_space<hbm>>
        %dma_start3A_30 = tpu.memref_slice %arg3[%add3A_24] : memref<323584xi32, #tpu.memory_space<hbm>> -> memref<128xi32, #tpu.memory_space<hbm>>
        tpu.enqueue_dma source(%dma_start3A_30 : memref<128xi32, #tpu.memory_space<hbm>>) target(%arg8 : memref<128xi32, #tpu.memory_space<vmem>>) target_semaphore(%run_scoped3A : memref<!tpu.dma_semaphore, #tpu.memory_space<semaphore_mem>>)
        %dma_wait3A_31 = tpu.memref_slice %arg3[%add3A_24] : memref<323584xi32, #tpu.memory_space<hbm>> -> memref<128xi32, #tpu.memory_space<hbm>>
        %dma_wait3A_32 = tpu.memref_slice %arg3[%add3A_24] : memref<323584xi32, #tpu.memory_space<hbm>> -> memref<128xi32, #tpu.memory_space<hbm>>
        tpu.wait_dma2 semaphore(%run_scoped3A : memref<!tpu.dma_semaphore, #tpu.memory_space<semaphore_mem>>) src(%dma_wait3A_32 : memref<128xi32, #tpu.memory_space<hbm>>) dst(%arg8 : memref<128xi32, #tpu.memory_space<vmem>>)
        tpu.yield
      }) : () -> ()
      %dma_start3A = arith.constant 0 : i32
      %dma_start3A_25 = arith.constant 0 : i32
      %dma_start3A_26 = tpu.memref_slice %arg4[%dma_start3A, %dma_start3A_25] : memref<10240x16xf32, #tpu.memory_space<hbm>> -> memref<10240x16xf32, #tpu.memory_space<hbm>>
      tpu.enqueue_indirect_dma source(%dma_start3A_26 : memref<10240x16xf32, #tpu.memory_space<hbm>>) target(%arg9 : memref<128x16xf32, #tpu.memory_space<vmem>>) offsets(%arg7 : memref<128xi32, #tpu.memory_space<vmem>>) semaphore(%arg11 : memref<!tpu.dma_semaphore, #tpu.memory_space<semaphore_mem>>)
      %dma_wait3A = arith.constant 0 : i32
      %dma_wait3A_27 = arith.constant 0 : i32
      %dma_wait3A_28 = tpu.memref_slice %arg4[%dma_wait3A, %dma_wait3A_27] : memref<10240x16xf32, #tpu.memory_space<hbm>> -> memref<10240x16xf32, #tpu.memory_space<hbm>>
      tpu.wait_indirect_dma semaphore(%arg11 : memref<!tpu.dma_semaphore, #tpu.memory_space<semaphore_mem>>) src(%dma_wait3A_28 : memref<10240x16xf32, #tpu.memory_space<hbm>>) dst(%arg9 : memref<128x16xf32, #tpu.memory_space<vmem>>)
      "tpu.region"() ({
        %run_scoped3A = tpu.sem_alloc : memref<!tpu.dma_semaphore, #tpu.memory_space<semaphore_mem>>
        %dma_start3A_29 = arith.constant 0 : i32
        %dma_start3A_30 = arith.constant 0 : i32
        %dma_start3A_31 = tpu.memref_slice %arg10[%dma_start3A_29, %dma_start3A_30] : memref<10240x16xf32, #tpu.memory_space<vmem_shared>> -> memref<10240x16xf32, #tpu.memory_space<vmem_shared>>
        tpu.enqueue_indirect_dma source(%arg9 : memref<128x16xf32, #tpu.memory_space<vmem>>) target(%dma_start3A_31 : memref<10240x16xf32, #tpu.memory_space<vmem_shared>>) offsets(%arg8 : memref<128xi32, #tpu.memory_space<vmem>>) semaphore(%run_scoped3A : memref<!tpu.dma_semaphore, #tpu.memory_space<semaphore_mem>>) {add = true}
        %dma_wait3A_32 = arith.constant 0 : i32
        %dma_wait3A_33 = arith.constant 0 : i32
        %dma_wait3A_34 = tpu.memref_slice %arg10[%dma_wait3A_32, %dma_wait3A_33] : memref<10240x16xf32, #tpu.memory_space<vmem_shared>> -> memref<10240x16xf32, #tpu.memory_space<vmem_shared>>
        tpu.wait_indirect_dma semaphore(%run_scoped3A : memref<!tpu.dma_semaphore, #tpu.memory_space<semaphore_mem>>) src(%arg9 : memref<128x16xf32, #tpu.memory_space<vmem>>) dst(%dma_wait3A_34 : memref<10240x16xf32, #tpu.memory_space<vmem_shared>>)
        tpu.yield
      }) : () -> ()
    }
    %scan3A_8 = arith.constant 79 : i32
    %barrier3A_9 = arith.constant 0 : index
    tpu.barrier barrier_id(%barrier3A_9)
    %eq3A = arith.constant 0 : i32
    %eq3A_10 = arith.cmpi eq, %arg0, %eq3A : i32
    %convert_element_type3A = arith.extui %eq3A_10 : i1 to i32
    %cond3A = arith.constant 0 : i32
    %cond3A_11 = arith.cmpi ne, %convert_element_type3A, %cond3A : i32
    scf.if %cond3A_11 {
      "tpu.region"() ({
        %run_scoped3A = tpu.sem_alloc : memref<!tpu.dma_semaphore, #tpu.memory_space<semaphore_mem>>
        %dma_start3A = arith.constant 0 : i32
        %dma_start3A_17 = tpu.memref_slice %arg5[%mul3A_4, %dma_start3A] : memref<10240x16xf32, #tpu.memory_space<hbm>> -> memref<640x16xf32, #tpu.memory_space<hbm>>
        %dma_start3A_18 = arith.constant 0 : i32
        %dma_start3A_19 = tpu.memref_slice %arg10[%mul3A_4, %dma_start3A_18] : memref<10240x16xf32, #tpu.memory_space<vmem_shared>> -> memref<640x16xf32, #tpu.memory_space<vmem_shared>>
        tpu.enqueue_dma source(%dma_start3A_19 : memref<640x16xf32, #tpu.memory_space<vmem_shared>>) target(%dma_start3A_17 : memref<640x16xf32, #tpu.memory_space<hbm>>) target_semaphore(%run_scoped3A : memref<!tpu.dma_semaphore, #tpu.memory_space<semaphore_mem>>)
        %dma_wait3A = arith.constant 0 : i32
        %dma_wait3A_20 = tpu.memref_slice %arg5[%mul3A_4, %dma_wait3A] : memref<10240x16xf32, #tpu.memory_space<hbm>> -> memref<640x16xf32, #tpu.memory_space<hbm>>
        %dma_wait3A_21 = arith.constant 0 : i32
        %dma_wait3A_22 = tpu.memref_slice %arg10[%mul3A_4, %dma_wait3A_21] : memref<10240x16xf32, #tpu.memory_space<vmem_shared>> -> memref<640x16xf32, #tpu.memory_space<vmem_shared>>
        tpu.wait_dma2 semaphore(%run_scoped3A : memref<!tpu.dma_semaphore, #tpu.memory_space<semaphore_mem>>) src(%dma_wait3A_22 : memref<640x16xf32, #tpu.memory_space<vmem_shared>>) dst(%dma_wait3A_20 : memref<640x16xf32, #tpu.memory_space<hbm>>)
        tpu.yield
      }) : () -> ()
    } else {
    }
    %eq3A_12 = arith.constant 1 : i32
    %eq3A_13 = arith.cmpi eq, %arg0, %eq3A_12 : i32
    %convert_element_type3A_14 = arith.extui %eq3A_13 : i1 to i32
    %cond3A_15 = arith.constant 0 : i32
    %cond3A_16 = arith.cmpi ne, %convert_element_type3A_14, %cond3A_15 : i32
    scf.if %cond3A_16 {
      "tpu.region"() ({
        %run_scoped3A = tpu.sem_alloc : memref<!tpu.dma_semaphore, #tpu.memory_space<semaphore_mem>>
        %dma_start3A = arith.constant 0 : i32
        %dma_start3A_17 = tpu.memref_slice %arg6[%mul3A_4, %dma_start3A] : memref<10240x16xf32, #tpu.memory_space<hbm>> -> memref<640x16xf32, #tpu.memory_space<hbm>>
        %dma_start3A_18 = arith.constant 0 : i32
        %dma_start3A_19 = tpu.memref_slice %arg10[%mul3A_4, %dma_start3A_18] : memref<10240x16xf32, #tpu.memory_space<vmem_shared>> -> memref<640x16xf32, #tpu.memory_space<vmem_shared>>
        tpu.enqueue_dma source(%dma_start3A_19 : memref<640x16xf32, #tpu.memory_space<vmem_shared>>) target(%dma_start3A_17 : memref<640x16xf32, #tpu.memory_space<hbm>>) target_semaphore(%run_scoped3A : memref<!tpu.dma_semaphore, #tpu.memory_space<semaphore_mem>>)
        %dma_wait3A = arith.constant 0 : i32
        %dma_wait3A_20 = tpu.memref_slice %arg6[%mul3A_4, %dma_wait3A] : memref<10240x16xf32, #tpu.memory_space<hbm>> -> memref<640x16xf32, #tpu.memory_space<hbm>>
        %dma_wait3A_21 = arith.constant 0 : i32
        %dma_wait3A_22 = tpu.memref_slice %arg10[%mul3A_4, %dma_wait3A_21] : memref<10240x16xf32, #tpu.memory_space<vmem_shared>> -> memref<640x16xf32, #tpu.memory_space<vmem_shared>>
        tpu.wait_dma2 semaphore(%run_scoped3A : memref<!tpu.dma_semaphore, #tpu.memory_space<semaphore_mem>>) src(%dma_wait3A_22 : memref<640x16xf32, #tpu.memory_space<vmem_shared>>) dst(%dma_wait3A_20 : memref<640x16xf32, #tpu.memory_space<hbm>>)
        tpu.yield
      }) : () -> ()
    } else {
    }
    return
  }
}

module attributes {stable_mosaic.version = 14 : i64} {
  func.func @_mm1_body(%arg0: i32, %arg1: memref<1024x128xf32, #tpu.memory_space<vmem>>, %arg2: memref<128x128xf32, #tpu.memory_space<vmem>>, %arg3: memref<1024x16xf32, #tpu.memory_space<vmem>>, %arg4: memref<1024x16xf32, #tpu.memory_space<vmem>>, %arg5: memref<1024x128xf32, #tpu.memory_space<vmem>>) attributes {dimension_semantics = [#tpu.dimension_semantics<arbitrary>], iteration_bounds = array<i64: 10>, scalar_prefetch = 0 : i64, scratch_operands = 0 : i64, tpu.core_type = #tpu.core_type<tc>, window_params = [{transform_indices = @transform_0, window_bounds = array<i64: 1024, 128>}, {pipeline_mode = #tpu.pipeline_mode<synchronous>, transform_indices = @transform_1, window_bounds = array<i64: 128, 128>}, {transform_indices = @transform_2, window_bounds = array<i64: 1024, 16>}, {transform_indices = @transform_3, window_bounds = array<i64: 1024, 16>}, {transform_indices = @transform_4, window_bounds = array<i64: 1024, 128>}]} {
    %get3A = arith.constant 0 : index
    %get3A_0 = arith.constant 0 : index
    %get3A_1 = vector.load %arg3[%get3A, %get3A_0] : memref<1024x16xf32, #tpu.memory_space<vmem>>, vector<1024x16xf32>
    %get3A_2 = arith.constant 0 : index
    %get3A_3 = arith.constant 0 : index
    %get3A_4 = vector.load %arg4[%get3A_2, %get3A_3] : memref<1024x16xf32, #tpu.memory_space<vmem>>, vector<1024x16xf32>
    %slice3A = vector.extract_strided_slice %get3A_1 {offsets = [0, 0], sizes = [1024, 1], strides = [1, 1]} : vector<1024x16xf32> to vector<1024x1xf32>
    %slice3A_5 = vector.extract_strided_slice %get3A_4 {offsets = [0, 0], sizes = [1024, 1], strides = [1, 1]} : vector<1024x16xf32> to vector<1024x1xf32>
    %add3A = arith.addf %slice3A, %slice3A_5 : vector<1024x1xf32>
    %add3A_6 = arith.constant 1.000000e+00 : f32
    %add3A_7 = vector.broadcast %add3A_6 : f32 to vector<1024x1xf32>
    %add3A_8 = arith.addf %add3A, %add3A_7 : vector<1024x1xf32>
    %rsqrt3A = math.rsqrt %add3A_8 : vector<1024x1xf32>
    %get3A_9 = arith.constant 0 : index
    %get3A_10 = arith.constant 0 : index
    %get3A_11 = vector.load %arg1[%get3A_9, %get3A_10] : memref<1024x128xf32, #tpu.memory_space<vmem>>, vector<1024x128xf32>
    %get3A_12 = arith.constant 0 : index
    %get3A_13 = arith.constant 0 : index
    %get3A_14 = vector.load %arg2[%get3A_12, %get3A_13] : memref<128x128xf32, #tpu.memory_space<vmem>>, vector<128x128xf32>
    %dot_general3A = arith.constant dense<0.000000e+00> : vector<1024x128xf32>
    %dot_general3A_15 = tpu.matmul %get3A_11, %get3A_14, %dot_general3A {dimension_numbers = #tpu.dot_dimension_numbers<[1], [0], [0], [1], [0, 0, 1, 1], [], []>, transpose_lhs_hint = false} : vector<1024x128xf32>, vector<128x128xf32>, vector<1024x128xf32> -> vector<1024x128xf32>
    %mul3A = vector.broadcast %rsqrt3A : vector<1024x1xf32> to vector<1024x128xf32>
    %mul3A_16 = arith.mulf %dot_general3A_15, %mul3A : vector<1024x128xf32>
    %swap3A = arith.constant 0 : index
    %swap3A_17 = arith.constant 0 : index
    %swap3A_18 = vector.load %arg5[%swap3A, %swap3A_17] : memref<1024x128xf32, #tpu.memory_space<vmem>>, vector<1024x128xf32>
    tpu.vector_store %arg5[%swap3A, %swap3A_17], %mul3A_16 {strides = array<i32>} : memref<1024x128xf32, #tpu.memory_space<vmem>>, vector<1024x128xf32>,
    return
  }
  func.func @transform_0(%arg0: i32) -> (i32, i32) {
    %c0_i32 = arith.constant 0 : i32
    %c0_i32_0 = arith.constant 0 : i32
    return %arg0, %c0_i32 : i32, i32
  }
  func.func @transform_1(%arg0: i32) -> (i32, i32) {
    %c0_i32 = arith.constant 0 : i32
    %c0_i32_0 = arith.constant 0 : i32
    %c0_i32_1 = arith.constant 0 : i32
    return %c0_i32, %c0_i32_0 : i32, i32
  }
  func.func @transform_2(%arg0: i32) -> (i32, i32) {
    %c0_i32 = arith.constant 0 : i32
    %c0_i32_0 = arith.constant 0 : i32
    return %arg0, %c0_i32 : i32, i32
  }
  func.func @transform_3(%arg0: i32) -> (i32, i32) {
    %c0_i32 = arith.constant 0 : i32
    %c0_i32_0 = arith.constant 0 : i32
    return %arg0, %c0_i32 : i32, i32
  }
  func.func @transform_4(%arg0: i32) -> (i32, i32) {
    %c0_i32 = arith.constant 0 : i32
    %c0_i32_0 = arith.constant 0 : i32
    return %arg0, %c0_i32 : i32, i32
  }
}

module attributes {stable_mosaic.version = 14 : i64} {
  func.func @_mid_body(%arg0: i32, %arg1: memref<1024x128xf32, #tpu.memory_space<vmem>>, %arg2: memref<1024x128xf32, #tpu.memory_space<vmem>>, %arg3: memref<1024x128xf32, #tpu.memory_space<vmem>>, %arg4: memref<1024x16xf32, #tpu.memory_space<vmem>>, %arg5: memref<1024x16xf32, #tpu.memory_space<vmem>>, %arg6: memref<1x128xf32, #tpu.memory_space<vmem>>, %arg7: memref<128x16xf32, #tpu.memory_space<vmem>>, %arg8: memref<1024x16xf32, #tpu.memory_space<vmem>>) attributes {dimension_semantics = [#tpu.dimension_semantics<arbitrary>], iteration_bounds = array<i64: 10>, scalar_prefetch = 0 : i64, scratch_operands = 0 : i64, tpu.core_type = #tpu.core_type<tc>, window_params = [{transform_indices = @transform_0, window_bounds = array<i64: 1024, 128>}, {transform_indices = @transform_1, window_bounds = array<i64: 1024, 128>}, {transform_indices = @transform_2, window_bounds = array<i64: 1024, 128>}, {transform_indices = @transform_3, window_bounds = array<i64: 1024, 16>}, {transform_indices = @transform_4, window_bounds = array<i64: 1024, 16>}, {pipeline_mode = #tpu.pipeline_mode<synchronous>, transform_indices = @transform_5, window_bounds = array<i64: 1, 128>}, {pipeline_mode = #tpu.pipeline_mode<synchronous>, transform_indices = @transform_6, window_bounds = array<i64: 128, 16>}, {transform_indices = @transform_7, window_bounds = array<i64: 1024, 16>}]} {
    %get3A = arith.constant 0 : index
    %get3A_0 = arith.constant 0 : index
    %get3A_1 = vector.load %arg4[%get3A, %get3A_0] : memref<1024x16xf32, #tpu.memory_space<vmem>>, vector<1024x16xf32>
    %get3A_2 = arith.constant 0 : index
    %get3A_3 = arith.constant 0 : index
    %get3A_4 = vector.load %arg5[%get3A_2, %get3A_3] : memref<1024x16xf32, #tpu.memory_space<vmem>>, vector<1024x16xf32>
    %slice3A = vector.extract_strided_slice %get3A_1 {offsets = [0, 0], sizes = [1024, 1], strides = [1, 1]} : vector<1024x16xf32> to vector<1024x1xf32>
    %slice3A_5 = vector.extract_strided_slice %get3A_4 {offsets = [0, 0], sizes = [1024, 1], strides = [1, 1]} : vector<1024x16xf32> to vector<1024x1xf32>
    %add3A = arith.addf %slice3A, %slice3A_5 : vector<1024x1xf32>
    %add3A_6 = arith.constant 1.000000e+00 : f32
    %add3A_7 = vector.broadcast %add3A_6 : f32 to vector<1024x1xf32>
    %add3A_8 = arith.addf %add3A, %add3A_7 : vector<1024x1xf32>
    %rsqrt3A = math.rsqrt %add3A_8 : vector<1024x1xf32>
    %get3A_9 = arith.constant 0 : index
    %get3A_10 = arith.constant 0 : index
    %get3A_11 = vector.load %arg1[%get3A_9, %get3A_10] : memref<1024x128xf32, #tpu.memory_space<vmem>>, vector<1024x128xf32>
    %get3A_12 = arith.constant 0 : index
    %get3A_13 = arith.constant 0 : index
    %get3A_14 = vector.load %arg2[%get3A_12, %get3A_13] : memref<1024x128xf32, #tpu.memory_space<vmem>>, vector<1024x128xf32>
    %add3A_15 = arith.addf %get3A_11, %get3A_14 : vector<1024x128xf32>
    %get3A_16 = arith.constant 0 : index
    %get3A_17 = arith.constant 0 : index
    %get3A_18 = vector.load %arg3[%get3A_16, %get3A_17] : memref<1024x128xf32, #tpu.memory_space<vmem>>, vector<1024x128xf32>
    %sub3A = arith.subf %add3A_15, %get3A_18 : vector<1024x128xf32>
    %mul3A = vector.broadcast %rsqrt3A : vector<1024x1xf32> to vector<1024x128xf32>
    %mul3A_19 = arith.mulf %mul3A, %sub3A : vector<1024x128xf32>
    %get3A_20 = arith.constant 0 : index
    %get3A_21 = arith.constant 0 : index
    %get3A_22 = vector.load %arg6[%get3A_20, %get3A_21] : memref<1x128xf32, #tpu.memory_space<vmem>>, vector<1x128xf32>
    %add3A_23 = vector.broadcast %get3A_22 : vector<1x128xf32> to vector<1024x128xf32>
    %add3A_24 = arith.addf %mul3A_19, %add3A_23 : vector<1024x128xf32>
    %max3A = arith.constant 0.000000e+00 : f32
    %max3A_25 = vector.broadcast %max3A : f32 to vector<1024x128xf32>
    %max3A_26 = arith.maximumf %add3A_24, %max3A_25 : vector<1024x128xf32>
    %get3A_27 = arith.constant 0 : index
    %get3A_28 = arith.constant 0 : index
    %get3A_29 = vector.load %arg7[%get3A_27, %get3A_28] : memref<128x16xf32, #tpu.memory_space<vmem>>, vector<128x16xf32>
    %dot_general3A = arith.constant dense<0.000000e+00> : vector<1024x16xf32>
    %dot_general3A_30 = tpu.matmul %max3A_26, %get3A_29, %dot_general3A {dimension_numbers = #tpu.dot_dimension_numbers<[1], [0], [0], [1], [0, 0, 1, 1], [], []>, transpose_lhs_hint = false} : vector<1024x128xf32>, vector<128x16xf32>, vector<1024x16xf32> -> vector<1024x16xf32>
    %mul3A_31 = vector.broadcast %rsqrt3A : vector<1024x1xf32> to vector<1024x16xf32>
    %mul3A_32 = arith.mulf %mul3A_31, %dot_general3A_30 : vector<1024x16xf32>
    %swap3A = arith.constant 0 : index
    %swap3A_33 = arith.constant 0 : index
    %swap3A_34 = vector.load %arg8[%swap3A, %swap3A_33] : memref<1024x16xf32, #tpu.memory_space<vmem>>, vector<1024x16xf32>
    tpu.vector_store %arg8[%swap3A, %swap3A_33], %mul3A_32 {strides = array<i32>} : memref<1024x16xf32, #tpu.memory_space<vmem>>, vector<1024x16xf32>,
    return
  }
  func.func @transform_0(%arg0: i32) -> (i32, i32) {
    %c0_i32 = arith.constant 0 : i32
    %c0_i32_0 = arith.constant 0 : i32
    return %arg0, %c0_i32 : i32, i32
  }
  func.func @transform_1(%arg0: i32) -> (i32, i32) {
    %c0_i32 = arith.constant 0 : i32
    %c0_i32_0 = arith.constant 0 : i32
    return %arg0, %c0_i32 : i32, i32
  }
  func.func @transform_2(%arg0: i32) -> (i32, i32) {
    %c0_i32 = arith.constant 0 : i32
    %c0_i32_0 = arith.constant 0 : i32
    return %arg0, %c0_i32 : i32, i32
  }
  func.func @transform_3(%arg0: i32) -> (i32, i32) {
    %c0_i32 = arith.constant 0 : i32
    %c0_i32_0 = arith.constant 0 : i32
    return %arg0, %c0_i32 : i32, i32
  }
  func.func @transform_4(%arg0: i32) -> (i32, i32) {
    %c0_i32 = arith.constant 0 : i32
    %c0_i32_0 = arith.constant 0 : i32
    return %arg0, %c0_i32 : i32, i32
  }
  func.func @transform_5(%arg0: i32) -> (i32, i32) {
    %c0_i32 = arith.constant 0 : i32
    %c0_i32_0 = arith.constant 0 : i32
    %c0_i32_1 = arith.constant 0 : i32
    return %c0_i32, %c0_i32_0 : i32, i32
  }
  func.func @transform_6(%arg0: i32) -> (i32, i32) {
    %c0_i32 = arith.constant 0 : i32
    %c0_i32_0 = arith.constant 0 : i32
    %c0_i32_1 = arith.constant 0 : i32
    return %c0_i32, %c0_i32_0 : i32, i32
  }
  func.func @transform_7(%arg0: i32) -> (i32, i32) {
    %c0_i32 = arith.constant 0 : i32
    %c0_i32_0 = arith.constant 0 : i32
    return %arg0, %c0_i32 : i32, i32
  }
}

module attributes {stable_mosaic.version = 14 : i64} {
  func.func @_fin_body(%arg0: i32, %arg1: memref<1024x16xf32, #tpu.memory_space<vmem>>, %arg2: memref<1024x16xf32, #tpu.memory_space<vmem>>, %arg3: memref<1024x16xf32, #tpu.memory_space<vmem>>, %arg4: memref<1024x16xf32, #tpu.memory_space<vmem>>, %arg5: memref<1024x16xf32, #tpu.memory_space<vmem>>, %arg6: memref<1x16xf32, #tpu.memory_space<vmem>>, %arg7: memref<1024x16xf32, #tpu.memory_space<vmem>>) attributes {dimension_semantics = [#tpu.dimension_semantics<arbitrary>], iteration_bounds = array<i64: 10>, scalar_prefetch = 0 : i64, scratch_operands = 0 : i64, tpu.core_type = #tpu.core_type<tc>, window_params = [{transform_indices = @transform_0, window_bounds = array<i64: 1024, 16>}, {transform_indices = @transform_1, window_bounds = array<i64: 1024, 16>}, {transform_indices = @transform_2, window_bounds = array<i64: 1024, 16>}, {transform_indices = @transform_3, window_bounds = array<i64: 1024, 16>}, {transform_indices = @transform_4, window_bounds = array<i64: 1024, 16>}, {pipeline_mode = #tpu.pipeline_mode<synchronous>, transform_indices = @transform_5, window_bounds = array<i64: 1, 16>}, {transform_indices = @transform_6, window_bounds = array<i64: 1024, 16>}]} {
    %get3A = arith.constant 0 : index
    %get3A_0 = arith.constant 0 : index
    %get3A_1 = vector.load %arg4[%get3A, %get3A_0] : memref<1024x16xf32, #tpu.memory_space<vmem>>, vector<1024x16xf32>
    %get3A_2 = arith.constant 0 : index
    %get3A_3 = arith.constant 0 : index
    %get3A_4 = vector.load %arg5[%get3A_2, %get3A_3] : memref<1024x16xf32, #tpu.memory_space<vmem>>, vector<1024x16xf32>
    %slice3A = vector.extract_strided_slice %get3A_1 {offsets = [0, 0], sizes = [1024, 1], strides = [1, 1]} : vector<1024x16xf32> to vector<1024x1xf32>
    %slice3A_5 = vector.extract_strided_slice %get3A_4 {offsets = [0, 0], sizes = [1024, 1], strides = [1, 1]} : vector<1024x16xf32> to vector<1024x1xf32>
    %add3A = arith.addf %slice3A, %slice3A_5 : vector<1024x1xf32>
    %add3A_6 = arith.constant 1.000000e+00 : f32
    %add3A_7 = vector.broadcast %add3A_6 : f32 to vector<1024x1xf32>
    %add3A_8 = arith.addf %add3A, %add3A_7 : vector<1024x1xf32>
    %rsqrt3A = math.rsqrt %add3A_8 : vector<1024x1xf32>
    %get3A_9 = arith.constant 0 : index
    %get3A_10 = arith.constant 0 : index
    %get3A_11 = vector.load %arg1[%get3A_9, %get3A_10] : memref<1024x16xf32, #tpu.memory_space<vmem>>, vector<1024x16xf32>
    %get3A_12 = arith.constant 0 : index
    %get3A_13 = arith.constant 0 : index
    %get3A_14 = vector.load %arg2[%get3A_12, %get3A_13] : memref<1024x16xf32, #tpu.memory_space<vmem>>, vector<1024x16xf32>
    %add3A_15 = arith.addf %get3A_11, %get3A_14 : vector<1024x16xf32>
    %get3A_16 = arith.constant 0 : index
    %get3A_17 = arith.constant 0 : index
    %get3A_18 = vector.load %arg3[%get3A_16, %get3A_17] : memref<1024x16xf32, #tpu.memory_space<vmem>>, vector<1024x16xf32>
    %sub3A = arith.subf %add3A_15, %get3A_18 : vector<1024x16xf32>
    %mul3A = vector.broadcast %rsqrt3A : vector<1024x1xf32> to vector<1024x16xf32>
    %mul3A_19 = arith.mulf %mul3A, %sub3A : vector<1024x16xf32>
    %get3A_20 = arith.constant 0 : index
    %get3A_21 = arith.constant 0 : index
    %get3A_22 = vector.load %arg6[%get3A_20, %get3A_21] : memref<1x16xf32, #tpu.memory_space<vmem>>, vector<1x16xf32>
    %add3A_23 = vector.broadcast %get3A_22 : vector<1x16xf32> to vector<1024x16xf32>
    %add3A_24 = arith.addf %mul3A_19, %add3A_23 : vector<1024x16xf32>
    %swap3A = arith.constant 0 : index
    %swap3A_25 = arith.constant 0 : index
    %swap3A_26 = vector.load %arg7[%swap3A, %swap3A_25] : memref<1024x16xf32, #tpu.memory_space<vmem>>, vector<1024x16xf32>
    tpu.vector_store %arg7[%swap3A, %swap3A_25], %add3A_24 {strides = array<i32>} : memref<1024x16xf32, #tpu.memory_space<vmem>>, vector<1024x16xf32>,
    return
  }
  func.func @transform_0(%arg0: i32) -> (i32, i32) {
    %c0_i32 = arith.constant 0 : i32
    %c0_i32_0 = arith.constant 0 : i32
    return %arg0, %c0_i32 : i32, i32
  }
  func.func @transform_1(%arg0: i32) -> (i32, i32) {
    %c0_i32 = arith.constant 0 : i32
    %c0_i32_0 = arith.constant 0 : i32
    return %arg0, %c0_i32 : i32, i32
  }
  func.func @transform_2(%arg0: i32) -> (i32, i32) {
    %c0_i32 = arith.constant 0 : i32
    %c0_i32_0 = arith.constant 0 : i32
    return %arg0, %c0_i32 : i32, i32
  }
  func.func @transform_3(%arg0: i32) -> (i32, i32) {
    %c0_i32 = arith.constant 0 : i32
    %c0_i32_0 = arith.constant 0 : i32
    return %arg0, %c0_i32 : i32, i32
  }
  func.func @transform_4(%arg0: i32) -> (i32, i32) {
    %c0_i32 = arith.constant 0 : i32
    %c0_i32_0 = arith.constant 0 : i32
    return %arg0, %c0_i32 : i32, i32
  }
  func.func @transform_5(%arg0: i32) -> (i32, i32) {
    %c0_i32 = arith.constant 0 : i32
    %c0_i32_0 = arith.constant 0 : i32
    %c0_i32_1 = arith.constant 0 : i32
    return %c0_i32, %c0_i32_0 : i32, i32
  }
  func.func @transform_6(%arg0: i32) -> (i32, i32) {
    %c0_i32 = arith.constant 0 : i32
    %c0_i32_0 = arith.constant 0 : i32
    return %arg0, %c0_i32 : i32, i32
  }
}

</mosaic_0001>

<sc_bundles>
// kernel: kernel.11.cloned.1.call-start
scs
__scs_entry_jumppad:
0x0: {  	(pc) =	sbr.rel $0x88, $3  }
0x1: {  	(tag) =	ssettag $0x0;
	lr =	simm.s32 $0x1  }
0x2: {  	[smem:$0x3F9B] =	sst lr;
	_ =	strace $0xD0000000  }
0x3: {  	_ = 	snop  }
0x4: {  	_ = 	snop  }
0x5: {  	_ = 	snop  }
0x6: {  	_ = 	snop  }
0x7: {  	_ = 	snop  }
__scs_overlays_trampoline_lowered:
0x8: {  	[smem:$0x3FAA] =	sst s0  }
0x9: {  	[smem:$0x3FAB] =	sst s1  }
0xa: {  	[smem:$0x3FAC] =	sst s2  }
0xb: {  	[smem:$0x3FAD] =	sst s3  }
0xc: {  	[smem:$0x3FAE] =	sst s4  }
0xd: {  	[smem:$0x3FAF] =	sst s5  }
0xe: {  	[smem:$0x3FB0] =	sst s6  }
0xf: {  	[smem:$0x3FB1] =	sst s7  }
0x10: {  	[smem:$0x3FB2] =	sst s8  }
0x11: {  	[smem:$0x3FB3] =	sst s9;
	s0 =	simm.s32 @!p0 $0x0  }
0x12: {  	s1 =	sld [smem:$0x3F99];
	s0 =	simm.s32 @p0 $0x1  }
0x13: {  	[smem:$0x3FB4] =	sst s0;
	s0 =	simm.s32 @!p1 $0x0  }
0x14: {  	s2 =	sld [smem:$0x3F98];
	s0 =	simm.s32 @p1 $0x1  }
0x15: {  	[smem:$0x3FB5] =	sst s0;
	s0 =	simm.s32 @!p2 $0x0  }
0x16: {  	s3 =	sld [smem:$0x3FDB];
	s0 =	simm.s32 @p2 $0x1  }
0x17: {  	s4 =	simm.s32 $0x1BF5;
	[smem:$0x3FB7] =	sst s0  }
0x18: {  	s0 =	sld [smem:$0x3F9A];
	_ =	swait.ge [sflag:s4], $0x0  }
0x19: {  	s7 =	sld [smem:$0x3F9B]  }
0x1a: {  	s8 =	sadd.s32 $0xFFFFE003, lr  }
0x1b: {  	s9 =	sadd.s32 $0xFFFFFEF7, lr;
	s5 =	simm.s32 $0xFFFFFFFF;
	p2 =	slt.u32 s8, $0xFFFFF086  }
0x1c: {  	p1 =	slt.u32 s9, $0xF7A;
	s5 =	simm.s32 @!p2 $0x0  }
0x1d: {  	s5 =	simm.s32 @p1 $0x1;
	p0 =	seq.s32 s7, s2  }
0x1e: {  	s7 =	smul.u32 @!p0 $0xF7A, s2;
	p2 =	seq.s32 @!p0 s5, $0x0  }
0x1f: {  	s9 =	smul.u32 $0xF7A, s1;
	s8 =	simm.s32 @!p0 $0x1BF5;
	p2 =	por !p2, p0  }
0x20: {  	[sflag:s8] =	ssyncset.s32 @!p0 $0xFFFFF086;
	s6 =	sadd.s32 @!p0 s3, s7;
	s7 =	simm.s32 @!p0 $0x108  }
0x21: {  	s3 =	sadd.s32 s3, s9;
	s6 =	sadd.s32 @!p0 $0x88, s6;
	s7 =	simm.s32 @p2 $0x1082  }
0x22: {  	[simem:s7], [sflag:s8] =	dma.local @!p0 [hbm:s6], $0xF7A  }
0x23: {  	s9 =	sor.u32 $0xD0000000, s2;
	s6 =	simm.s32 $0x108;
	_ =	swait.ge @!p0 [sflag:s8], $0x0  }
0x24: {  	s3 =	sadd.s32 $0x88, s3;
	s6 =	simm.s32 @!p1 $0x1082;
	[sflag:s4] =	ssyncset.s32 $0xFFFFF086  }
0x25: {  	[simem:s6], [sflag:s4] =	dma.local [hbm:s3], $0xF7A  }
0x26: {  	[smem:$0x3F9B] =	sst s1;
	(tag) =	ssettag s2;
	_ =	strace s9  }
0x27: {  	s1 =	sld [smem:$0x3FAB]  }
0x28: {  	s2 =	sld [smem:$0x3FAC]  }
0x29: {  	s4 =	sld [smem:$0x3FAE]  }
0x2a: {  	p0 =	seq.s32 s5, $0x0;
	s5 =	sld [smem:$0x3FAF]  }
0x2b: {  	s6 =	sld [smem:$0x3FB0]  }
0x2c: {  	s7 =	sld [smem:$0x3FB1]  }
0x2d: {  	s3 =	simm.s32 $0x108;
	s8 =	sld [smem:$0x3FB2]  }
0x2e: {  	s3 =	simm.s32 @!p0 $0x1082;
	s9 =	sld [smem:$0x3FB3]  }
0x2f: {  	lr =	sadd.s32 s0, s3;
	s0 =	sld [smem:$0x3FAA]  }
0x30: {  	s3 =	sld [smem:$0x3FAD]  }
0x31: {  	[smem:$0x3FB6] =	sst s10  }
0x32: {  	s10 =	sld [smem:$0x3FB4];
	_ =	sdelay $0x3  }
0x33: {  	p0 =	seq.s32 s10, $0x1;
	s10 =	sld [smem:$0x3FB6];
	_ =	sdelay $0x3  }
0x34: {  	[smem:$0x3FB6] =	sst s10  }
0x35: {  	s10 =	sld [smem:$0x3FB5];
	_ =	sdelay $0x3  }
0x36: {  	p1 =	seq.s32 s10, $0x1;
	s10 =	sld [smem:$0x3FB6];
	_ =	sdelay $0x3  }
0x37: {  	[smem:$0x3FB6] =	sst s10  }
0x38: {  	s10 =	sld [smem:$0x3FB7]  }
0x39: {  	_ = 	snop;
	(pc) =	sbr.ind lr, $3  }
0x3a: {  	_ = 	snop  }
0x3b: {  	_ = 	snop  }
0x3c: {  	p2 =	seq.s32 s10, $0x1;
	s10 =	sld [smem:$0x3FB6]  }
0x3d: {  	_ =	shalt  }
0x3e: {  	_ =	shalt  }
0x3f: {  	_ =	shalt  }
0x40: {  	_ =	shalt  }
0x41: {  	_ =	shalt  }
0x42: {  	_ =	shalt  }
0x43: {  	_ =	shalt  }
0x44: {  	_ =	shalt  }
0x45: {  	_ =	shalt  }
0x46: {  	_ =	shalt  }
0x47: {  	_ =	shalt  }
0x48: {  	_ =	shalt  }
0x49: {  	_ =	shalt  }
0x4a: {  	_ =	shalt  }
0x4b: {  	_ =	shalt  }
0x4c: {  	_ =	shalt  }
0x4d: {  	_ =	shalt  }
0x4e: {  	_ =	shalt  }
0x4f: {  	_ =	shalt  }
0x50: {  	_ =	shalt  }
0x51: {  	_ =	shalt  }
0x52: {  	_ =	shalt  }
0x53: {  	_ =	shalt  }
0x54: {  	_ =	shalt  }
0x55: {  	_ =	shalt  }
0x56: {  	_ =	shalt  }
0x57: {  	_ =	shalt  }
0x58: {  	_ =	shalt  }
0x59: {  	_ =	shalt  }
0x5a: {  	_ =	shalt  }
0x5b: {  	_ =	shalt  }
0x5c: {  	_ =	shalt  }
0x5d: {  	_ =	shalt  }
0x5e: {  	_ =	shalt  }
0x5f: {  	_ =	shalt  }
0x60: {  	_ =	shalt  }
0x61: {  	_ =	shalt  }
0x62: {  	_ =	shalt  }
0x63: {  	_ =	shalt  }
0x64: {  	_ =	shalt  }
0x65: {  	_ =	shalt  }
0x66: {  	_ =	shalt  }
0x67: {  	_ =	shalt  }
0x68: {  	_ =	shalt  }
0x69: {  	_ =	shalt  }
0x6a: {  	_ =	shalt  }
0x6b: {  	_ =	shalt  }
0x6c: {  	_ =	shalt  }
0x6d: {  	_ =	shalt  }
0x6e: {  	_ =	shalt  }
0x6f: {  	_ =	shalt  }
0x70: {  	_ =	shalt  }
0x71: {  	_ =	shalt  }
0x72: {  	_ =	shalt  }
0x73: {  	_ =	shalt  }
0x74: {  	_ =	shalt  }
0x75: {  	_ =	shalt  }
0x76: {  	_ =	shalt  }
0x77: {  	_ =	shalt  }
0x78: {  	_ =	shalt  }
0x79: {  	_ =	shalt  }
0x7a: {  	_ =	shalt  }
0x7b: {  	_ =	shalt  }
0x7c: {  	_ =	shalt  }
0x7d: {  	_ =	shalt  }
0x7e: {  	_ =	shalt  }
0x7f: {  	_ =	shalt  }
0x80: {  	_ =	shalt  }
0x81: {  	_ =	shalt  }
0x82: {  	_ =	shalt  }
0x83: {  	_ =	shalt  }
0x84: {  	_ =	shalt  }
0x85: {  	_ =	shalt  }
0x86: {  	_ =	shalt  }
0x87: {  	_ =	shalt  }
.Lfunc_end0:
.L_simem_size_0:
called_computation.1_lowered:
.L_overlay_start_0:
0x88: {  	s2 =	sld [smem:$0x3FD9]  }
0x89: {  	s3 =	sld [smem:$0x3FFE];
	_ =	sdelay $0x1  }
0x8a: {  	s1 =	srdreg.scid  }
0x8b: {  	s0 =	sand.u32 $0x1, s1  }
0x8c: {  	s16 =	sshll.u32 s0, $0xA;
	s2 =	sadd.s32 s3, s2  }
0x8d: {  	s2 =	sadd.s32 s2, s16  }
0x8e: {  	[smem:$0x3FC2] =	sst s2  }
0x8f: {  	_ = 	snop  }
0x90: {  	(tm) =	ssettm $0x1  }
0x91: {  	s17 =	sld [smem:$0x3FFB];
	_ =	sdelay $0x3  }
0x92: {  	_ =	strace s17  }
0x93: {  	s2 =	sld [smem:$0x3FFC];
	_ =	sdelay $0x3  }
0x94: {  	_ =	strace s2  }
0x95: {  	s2 =	sld [smem:$0x3FFD];
	_ =	sdelay $0x3  }
0x96: {  	_ =	strace s2  }
0x97: {  	_ =	strace $0x8FFFFFFF  }
0x98: {  	s18 =	sld [smem:$0x3FDB];
	_ =	sdelay $0x1  }
0x99: {  	s19 =	simm.s32 $_scs_section_size  }
0x9a: {  	s4 =	simm.s32 $_size__tile_overlayer_lowered;
	s5 =	simm.s32 $_tile_overlayer_lowered  }
0x9b: {  	s22 =	simm.s32 $0x1BFF;
	s21 =	sshll.u32 s5, $0x1;
	s2 =	sadd.s32 s19, s18  }
0x9c: {  	s6 =	simm.s32 $0x0;
	s20 =	sshll.u32 s4, $0x1;
	s4 =	sadd.s32 s21, s2  }
0x9d: {  	[timem:s6], [sflag:s22] =	dma.local [hbm:s4], s20  }
0x9e: {  	_ =	swait.ge [sflag:s22], s20  }
0x9f: {  	s3 =	ssub.s32 $0x0, s20;
	[sflag:s22] =	ssyncset.done $0x0  }
0xa0: {  	[sflag:s22] =	ssyncadd.s32 s3;
	_ =	sdelay $0x1  }
0xa1: {  	s23 =	simm.s32 $0x1B8B  }
0xa2: {  	_ =	swait.ge [sflag:s23], $0x1  }
0xa3: {  	[sflag:s23] =	ssyncset.done $0x0  }
0xa4: {  	s25 =	simm.s32 $0x1B8E;
	s24 =	sld [smem:$0x3FFE];
	[sflag:s23] =	ssyncadd.s32 $0xFFFFFFFF  }
0xa5: {  	s26 =	simm.s32 $execute0_lowered;
	[smem:$0x3FD2] =	sst s25  }
0xa6: {  	s4 =	sshll.u32 s26, $0x1;
	_ =	strace $0x80000049;
	[dreg:$0x1] =	wrdreg $0xFFFFFFFF  }
0xa7: {  	s28 =	simm.s32 $_size_execute0_lowered;
	s2 =	sadd.s32 s2, s4;
	[dreg:$0x0] =	wrdreg $0x0  }
0xa8: {  	s4 =	sshll.u32 s28, $0x1;
	[dreg:$0x2] =	wrdreg s2  }
0xa9: {  	[dreg:$0x3] =	wrdreg s4  }
0xaa: {  	[dreg:$0x4] =	wrdreg $0xC0  }
0xab: {  	_ =	task [dreg:s6], $0x5FFFF  }
0xac: {  	[dreg:$0x1] =	wrdreg $0xFFFFFFFF  }
0xad: {  	[dreg:$0x0] =	wrdreg $0x60  }
0xae: {  	[dreg:$0x2] =	wrdreg s24  }
0xaf: {  	[dreg:$0x3] =	wrdreg $0x41000  }
0xb0: {  	[dreg:$0x4] =	wrdreg $0x9  }
0xb1: {  	_ =	task.clear_ibuf [dreg:s6], $0x5FFFF;
	_ =	strace $0x90000049  }
0xb2: {  	s29 =	simm.s32 $0x9;
	_ =	strace $0x8000004B  }
0xb3: {  	_ =	swait.ge [sflag:s29], $0x1  }
0xb4: {  	[sflag:s29] =	ssyncadd.s32 $0xFFFFFFFF  }
0xb5: {  	_ =	strace $0x9000004B  }
0xb6: {  	_ =	sfence  }
0xb7: {  	s30 =	sld [smem:$0x0];
	_ =	sdelay $0x2  }
0xb8: {  	s31 =	sshll.u32 s1, $0xD;
	s1 =	sshrl.u32 s1, $0x2  }
0xb9: {  	s3 =	sand.u32 $0x4000, s31;
	s1 =	sadd.s32 s1, s30  }
0xba: {  	s0 =	sor.u32 s3, s0;
	s1 =	sshll.u32 s1, $0x11  }
0xbb: {  	s0 =	sor.u32 s1, s0  }
0xbc: {  	s0 =	sadd.s32 $0x8F2B, s0  }
0xbd: {  	[sflag:s0] =	ssyncadd.remote.s32 $0x1  }
0xbe: {  	_ =	sfence.sel $0xFFFF  }
0xbf: {  	[dreg:$0x0] =	wrdreg $0xFFFFFFFF;
	(pc) =	sbr.abs _section_cstart, $3  }
0xc0: {  	[dreg:$0x1] =	wrdreg $0xFFFFFFFF  }
0xc1: {  	_ =	task.clear_ibuf [dreg:s6], $0x2FFFF;
	_ =	strace $0x9FFFFFFF  }
0xc2: {  	(tm) =	ssettm $0x7FFFFFFF  }
0xc3: {  	_ =	shalt  }
tec
execute0_lowered:
.L_overlay_start_1:
0x0: {  	(tag) =	ssettag $0x1  }
0x1: {  	s1 =	srdreg.scid;
	s8 =	rddreg [dreg:$0x0]  }
0x2: {  	s0 =	stileid.u32;
	s2 =	rddreg [dreg:$0x1];
	s3 =	simm.s32 $0x0  }
0x3: {  	s13 =	simm.s32 $0xC5600;
	s14 =	simm.s32 $0x100;
	s15 =	simm.s32 $0x1  }
0x4: {  	s5 =	sand.u32 $0x1, s1;
	s4 =	smul.u32 $0x4F00, s0;
	s1 =	rddreg [dreg:$0x2]  }
0x5: {  	s16 =	simm.s32 $0x0;
	[smem:$0x7FF] =	sst s3;
	s7 =	smul.u32 $0x14000, s0  }
0x6: {  	s31 =	sshll.u32 s0, $0x6;
	s6 =	smul.u32 $0x2780, s5;
	s30 =	ssub.s32 $0x2, s5  }
0x7: {  	_ =	strace $0x8000004A;
	p0 =	seq.s32 s5, $0x1;
	s9 =	sshrl.u32 s30, $0x1  }
0x8: {  	s11 =	sadd.s32 s7, s2;
	s12 =	sshrl.u32 s7, $0x3;
	s13 =	simm.s32 @!p0 $0x9D600  }
0x9: {  	s4 =	sadd.s32 s6, s4;
	s9 =	ssub.s32 s30, s9;
	s6 =	sor.u32 $0x1C02, s31  }
0xa: {  	s11 =	sshrl.u32 s11, $0x3;
	s4 =	sshrl.u32 s4, $0x3;
	s7 =	smax.u32 s9, $0x1  }
0xb: {  	s10 =	sadd.s32 s4, s8;
	s4 =	sadd.s32 $0x75600, s8;
	s8 =	sadd.s32 s13, s8  }
0xc: {  	s13 =	simm.s32 $0x80;
	s5 =	sadd.s32 s4, s12;
	s8 =	sadd.s32 s8, s12  }
0xd: {  	s9 =	sadd.s32 $0x2A00, s10;
	s10 =	sadd.s32 $0x1B800, s10;
	s12 =	simm.s32 $0x2  }
.LBB2_1:
0xe: {  	[spmem:s11], [sflag:s6] =	dma.local [hbm:s5], $0x2800  }
0xf: {  	_ =	swait.ge [sflag:s12], $0x2800  }
0x10: {  	[sflag:s12] =	ssyncset.done $0x0  }
0x11: {  	[sflag:s12] =	ssyncadd.s32 $0xFFFFD800  }
0x12: {  	s17 =	sadd.s32 $0x0, s10;
	[bflag:$0x0] =	sbarrier.arrive $0xFFFF  }
0x13: {  	[tilespmem:s3], [sflag:$0x2] =	stream.linear.gather [hbm4b:s17+s3], $0x80, $0x38;
	[tilespmem:$0x18100] =	vst v63  }
0x14: {  	_ =	swait.ge [sflag:s12], $0x80  }
0x15: {  	[sflag:s12] =	ssyncset.done $0x0  }
0x16: {  	s31 =	sadd.s32 $0x0, s9;
	[sflag:s12] =	ssyncadd.s32 $0xFFFFFF80  }
0x17: {  	[tilespmem:s13], [sflag:$0x2] =	stream.linear.gather [hbm4b:s31+s3], $0x80, $0x38;
	[tilespmem:$0x18100] =	vst v63  }
0x18: {  	_ =	swait.ge [sflag:s12], $0x80  }
0x19: {  	[sflag:s12] =	ssyncset.done $0x0  }
0x1a: {  	[sflag:s12] =	ssyncadd.s32 $0xFFFFFF80  }
0x1b: {  	[tilespmem:s14], [sflag:$0x1] =	stream.indirect.gather [hbm4b:s4+s13], $0x80, s3, s13, $0xb8;
	[tilespmem:$0x18100] =	vst v63  }
0x1c: {  	_ =	swait.ge [sflag:s15], $0x4000  }
0x1d: {  	[sflag:s15] =	ssyncset.done $0x0  }
0x1e: {  	[sflag:s15] =	ssyncadd.s32 $0xFFFFC000  }
0x1f: {  	[spmem:s2] =	stream.indirect.scatter.add.f32 [tilespmem:s14], [sflag:$0x2], $0x80, s13, s13, $0xb8;
	[tilespmem:$0x18100] =	vst v63  }
0x20: {  	_ =	swait.ge [sflag:s12], $0x4000  }
0x21: {  	s18 =	simm.s32 $0x20;
	s17 =	simm.s32 $0x10;
	[sflag:s12] =	ssyncset.done $0x0  }
.LBB2_2:
0x22: {  	s19 =	sadd.s32 s17, s10  }
0x23: {  	[sflag:s12] =	ssyncadd.s32 $0xFFFFC000;
	s20 =	smov.u32 s18;
	s21 =	sadd.s32 $0x10, s18  }
0x24: {  	[tilespmem:s3], [sflag:$0x2] =	stream.linear.gather [hbm4b:s19+s3], $0x80, $0x38;
	[tilespmem:$0x18100] =	vst v63  }
0x25: {  	p0 =	sne.s32 s18, $0x4E0;
	_ =	swait.ge [sflag:s12], $0x80  }
0x26: {  	[sflag:s12] =	ssyncset.done $0x0  }
0x27: {  	s18 =	sadd.s32 s17, s9;
	s17 =	smov.u32 s20;
	[sflag:s12] =	ssyncadd.s32 $0xFFFFFF80  }
0x28: {  	[tilespmem:s13], [sflag:$0x2] =	stream.linear.gather [hbm4b:s18+s3], $0x80, $0x38;
	[tilespmem:$0x18100] =	vst v63  }
0x29: {  	_ =	swait.ge [sflag:s12], $0x80  }
0x2a: {  	[sflag:s12] =	ssyncset.done $0x0  }
0x2b: {  	[sflag:s12] =	ssyncadd.s32 $0xFFFFFF80  }
0x2c: {  	[tilespmem:s14], [sflag:$0x1] =	stream.indirect.gather [hbm4b:s4+s13], $0x80, s3, s13, $0xb8;
	[tilespmem:$0x18100] =	vst v63  }
0x2d: {  	_ =	swait.ge [sflag:s15], $0x4000  }
.Ltmp0:
0x2e: {  	[sflag:s15] =	ssyncset.done $0x0;
	(pc) =	sbr.rel @p0 .LBB2_2-.Ltmp0, $4  }
0x2f: {  	[sflag:s15] =	ssyncadd.s32 $0xFFFFC000  }
0x30: {  	[spmem:s2] =	stream.indirect.scatter.add.f32 [tilespmem:s14], [sflag:$0x2], $0x80, s13, s13, $0xb8;
	[tilespmem:$0x18100] =	vst v63  }
0x31: {  	_ =	swait.ge [sflag:s12], $0x4000  }
0x32: {  	s18 =	smov.u32 s21;
	[sflag:s12] =	ssyncset.done $0x0  }
0x33: {  	s18 =	sadd.s32 s17, s10;
	[sflag:s12] =	ssyncadd.s32 $0xFFFFC000  }
0x34: {  	[tilespmem:s3], [sflag:$0x2] =	stream.linear.gather [hbm4b:s18+s3], $0x80, $0x38;
	[tilespmem:$0x18100] =	vst v63  }
0x35: {  	_ =	swait.ge [sflag:s12], $0x80  }
0x36: {  	[sflag:s12] =	ssyncset.done $0x0  }
0x37: {  	s31 =	sadd.s32 s17, s9;
	[sflag:s12] =	ssyncadd.s32 $0xFFFFFF80  }
0x38: {  	[tilespmem:s13], [sflag:$0x2] =	stream.linear.gather [hbm4b:s31+s3], $0x80, $0x38;
	[tilespmem:$0x18100] =	vst v63  }
0x39: {  	_ =	swait.ge [sflag:s12], $0x80  }
0x3a: {  	[sflag:s12] =	ssyncset.done $0x0  }
0x3b: {  	[sflag:s12] =	ssyncadd.s32 $0xFFFFFF80  }
0x3c: {  	[tilespmem:s14], [sflag:$0x1] =	stream.indirect.gather [hbm4b:s4+s13], $0x80, s3, s13, $0xb8;
	[tilespmem:$0x18100] =	vst v63  }
0x3d: {  	_ =	swait.ge [sflag:s15], $0x4000  }
0x3e: {  	[sflag:s15] =	ssyncset.done $0x0  }
0x3f: {  	[sflag:s15] =	ssyncadd.s32 $0xFFFFC000  }
0x40: {  	[spmem:s2] =	stream.indirect.scatter.add.f32 [tilespmem:s14], [sflag:$0x2], $0x80, s13, s13, $0xb8;
	[tilespmem:$0x18100] =	vst v63  }
0x41: {  	_ =	swait.ge [sflag:s12], $0x4000  }
0x42: {  	s16 =	sadd.s32 $0x1, s16;
	[sflag:s12] =	ssyncset.done $0x0  }
0x43: {  	p0 =	sne.s32 s16, s7;
	[sflag:s12] =	ssyncadd.s32 $0xFFFFC000  }
.Ltmp1:
0x44: {  	[bflag:$0x0] =	sbarrier.arrive $0xFFFF;
	(pc) =	sbr.rel @p0 .LBB2_1-.Ltmp1, $4  }
0x45: {  	[hbm:s8], [sflag:s6] =	dma.local [spmem:s11], $0x2800  }
0x46: {  	_ =	swait.ge [sflag:s12], $0x2800  }
0x47: {  	[sflag:s12] =	ssyncset.done $0x0  }
0x48: {  	[sflag:s12] =	ssyncadd.s32 $0xFFFFD800  }
0x49: {  	_ =	sfence.sel $0x180000  }
0x4a: {  	[bflag:$0x0] =	sbarrier.arrive $0xFFFF  }
0x4b: {  	p0 =	sne.s32 s0, $0x0;
	_ =	strace $0x9000004A  }
0x4c: {  	s0 =	sadd.s32 @!p0 $0x100000, s1;
	[bflag:$0x2] =	sbarrier.arrive $0xFFFF  }
0x4d: {  	[sflag:s0] =	ssyncadd.tile.s32 @!p0 $0x1;
	_ =	shalt  }
.Lfunc_end2:
_tile_overlayer_lowered:
.L_overlay_start_2:
0x4e: {  	(tag) =	ssettag $0x2  }
0x4f: {  	s0 =	rddreg [dreg:$0x0];
	s2 =	stileid.u32  }
0x50: {  	s1 =	rddreg [dreg:$0x1];
	p0 =	sne.s32 s2, $0x0  }
0x51: {  	s3 =	rddreg [dreg:$0x2];
	[bflag:$0x3] =	sbarrier.arrive $0xFFFF;
	s2 =	simm.s32 @!p0 $0x1C02  }
0x52: {  	[timem:s3], [sflag:s2] =	dma.local @!p0 [hbm:s0], s1  }
0x53: {  	s0 =	simm.s32 @!p0 $0x2  }
0x54: {  	_ =	swait.ge @!p0 [sflag:s0], s1  }
0x55: {  	s1 =	ssub.s32 @!p0 $0x0, s1;
	[sflag:s0] =	ssyncset.done @!p0 $0x0  }
0x56: {  	[sflag:s0] =	ssyncadd.s32 @!p0 s1  }
0x57: {  	[bflag:$0x3] =	sbarrier.arrive $0xFFFF  }
0x58: {  	_ =	shalt  }

// kernel: kernel.14.cloned.1.call-start
scs
__scs_entry_jumppad:
0x0: {  	(pc) =	sbr.rel $0x88, $3  }
0x1: {  	(tag) =	ssettag $0x0;
	lr =	simm.s32 $0x1  }
0x2: {  	[smem:$0x3F9B] =	sst lr;
	_ =	strace $0xD0000000  }
0x3: {  	_ = 	snop  }
0x4: {  	_ = 	snop  }
0x5: {  	_ = 	snop  }
0x6: {  	_ = 	snop  }
0x7: {  	_ = 	snop  }
__scs_overlays_trampoline_lowered:
0x8: {  	[smem:$0x3FAA] =	sst s0  }
0x9: {  	[smem:$0x3FAB] =	sst s1  }
0xa: {  	[smem:$0x3FAC] =	sst s2  }
0xb: {  	[smem:$0x3FAD] =	sst s3  }
0xc: {  	[smem:$0x3FAE] =	sst s4  }
0xd: {  	[smem:$0x3FAF] =	sst s5  }
0xe: {  	[smem:$0x3FB0] =	sst s6  }
0xf: {  	[smem:$0x3FB1] =	sst s7  }
0x10: {  	[smem:$0x3FB2] =	sst s8  }
0x11: {  	[smem:$0x3FB3] =	sst s9;
	s0 =	simm.s32 @!p0 $0x0  }
0x12: {  	s1 =	sld [smem:$0x3F99];
	s0 =	simm.s32 @p0 $0x1  }
0x13: {  	[smem:$0x3FB4] =	sst s0;
	s0 =	simm.s32 @!p1 $0x0  }
0x14: {  	s2 =	sld [smem:$0x3F98];
	s0 =	simm.s32 @p1 $0x1  }
0x15: {  	[smem:$0x3FB5] =	sst s0;
	s0 =	simm.s32 @!p2 $0x0  }
0x16: {  	s3 =	sld [smem:$0x3FDB];
	s0 =	simm.s32 @p2 $0x1  }
0x17: {  	s4 =	simm.s32 $0x1BF5;
	[smem:$0x3FB7] =	sst s0  }
0x18: {  	s0 =	sld [smem:$0x3F9A];
	_ =	swait.ge [sflag:s4], $0x0  }
0x19: {  	s7 =	sld [smem:$0x3F9B]  }
0x1a: {  	s8 =	sadd.s32 $0xFFFFE003, lr  }
0x1b: {  	s9 =	sadd.s32 $0xFFFFFEF7, lr;
	s5 =	simm.s32 $0xFFFFFFFF;
	p2 =	slt.u32 s8, $0xFFFFF086  }
0x1c: {  	p1 =	slt.u32 s9, $0xF7A;
	s5 =	simm.s32 @!p2 $0x0  }
0x1d: {  	s5 =	simm.s32 @p1 $0x1;
	p0 =	seq.s32 s7, s2  }
0x1e: {  	s7 =	smul.u32 @!p0 $0xF7A, s2;
	p2 =	seq.s32 @!p0 s5, $0x0  }
0x1f: {  	s9 =	smul.u32 $0xF7A, s1;
	s8 =	simm.s32 @!p0 $0x1BF5;
	p2 =	por !p2, p0  }
0x20: {  	[sflag:s8] =	ssyncset.s32 @!p0 $0xFFFFF086;
	s6 =	sadd.s32 @!p0 s3, s7;
	s7 =	simm.s32 @!p0 $0x108  }
0x21: {  	s3 =	sadd.s32 s3, s9;
	s6 =	sadd.s32 @!p0 $0x88, s6;
	s7 =	simm.s32 @p2 $0x1082  }
0x22: {  	[simem:s7], [sflag:s8] =	dma.local @!p0 [hbm:s6], $0xF7A  }
0x23: {  	s9 =	sor.u32 $0xD0000000, s2;
	s6 =	simm.s32 $0x108;
	_ =	swait.ge @!p0 [sflag:s8], $0x0  }
0x24: {  	s3 =	sadd.s32 $0x88, s3;
	s6 =	simm.s32 @!p1 $0x1082;
	[sflag:s4] =	ssyncset.s32 $0xFFFFF086  }
0x25: {  	[simem:s6], [sflag:s4] =	dma.local [hbm:s3], $0xF7A  }
0x26: {  	[smem:$0x3F9B] =	sst s1;
	(tag) =	ssettag s2;
	_ =	strace s9  }
0x27: {  	s1 =	sld [smem:$0x3FAB]  }
0x28: {  	s2 =	sld [smem:$0x3FAC]  }
0x29: {  	s4 =	sld [smem:$0x3FAE]  }
0x2a: {  	p0 =	seq.s32 s5, $0x0;
	s5 =	sld [smem:$0x3FAF]  }
0x2b: {  	s6 =	sld [smem:$0x3FB0]  }
0x2c: {  	s7 =	sld [smem:$0x3FB1]  }
0x2d: {  	s3 =	simm.s32 $0x108;
	s8 =	sld [smem:$0x3FB2]  }
0x2e: {  	s3 =	simm.s32 @!p0 $0x1082;
	s9 =	sld [smem:$0x3FB3]  }
0x2f: {  	lr =	sadd.s32 s0, s3;
	s0 =	sld [smem:$0x3FAA]  }
0x30: {  	s3 =	sld [smem:$0x3FAD]  }
0x31: {  	[smem:$0x3FB6] =	sst s10  }
0x32: {  	s10 =	sld [smem:$0x3FB4];
	_ =	sdelay $0x3  }
0x33: {  	p0 =	seq.s32 s10, $0x1;
	s10 =	sld [smem:$0x3FB6];
	_ =	sdelay $0x3  }
0x34: {  	[smem:$0x3FB6] =	sst s10  }
0x35: {  	s10 =	sld [smem:$0x3FB5];
	_ =	sdelay $0x3  }
0x36: {  	p1 =	seq.s32 s10, $0x1;
	s10 =	sld [smem:$0x3FB6];
	_ =	sdelay $0x3  }
0x37: {  	[smem:$0x3FB6] =	sst s10  }
0x38: {  	s10 =	sld [smem:$0x3FB7]  }
0x39: {  	_ = 	snop;
	(pc) =	sbr.ind lr, $3  }
0x3a: {  	_ = 	snop  }
0x3b: {  	_ = 	snop  }
0x3c: {  	p2 =	seq.s32 s10, $0x1;
	s10 =	sld [smem:$0x3FB6]  }
0x3d: {  	_ =	shalt  }
0x3e: {  	_ =	shalt  }
0x3f: {  	_ =	shalt  }
0x40: {  	_ =	shalt  }
0x41: {  	_ =	shalt  }
0x42: {  	_ =	shalt  }
0x43: {  	_ =	shalt  }
0x44: {  	_ =	shalt  }
0x45: {  	_ =	shalt  }
0x46: {  	_ =	shalt  }
0x47: {  	_ =	shalt  }
0x48: {  	_ =	shalt  }
0x49: {  	_ =	shalt  }
0x4a: {  	_ =	shalt  }
0x4b: {  	_ =	shalt  }
0x4c: {  	_ =	shalt  }
0x4d: {  	_ =	shalt  }
0x4e: {  	_ =	shalt  }
0x4f: {  	_ =	shalt  }
0x50: {  	_ =	shalt  }
0x51: {  	_ =	shalt  }
0x52: {  	_ =	shalt  }
0x53: {  	_ =	shalt  }
0x54: {  	_ =	shalt  }
0x55: {  	_ =	shalt  }
0x56: {  	_ =	shalt  }
0x57: {  	_ =	shalt  }
0x58: {  	_ =	shalt  }
0x59: {  	_ =	shalt  }
0x5a: {  	_ =	shalt  }
0x5b: {  	_ =	shalt  }
0x5c: {  	_ =	shalt  }
0x5d: {  	_ =	shalt  }
0x5e: {  	_ =	shalt  }
0x5f: {  	_ =	shalt  }
0x60: {  	_ =	shalt  }
0x61: {  	_ =	shalt  }
0x62: {  	_ =	shalt  }
0x63: {  	_ =	shalt  }
0x64: {  	_ =	shalt  }
0x65: {  	_ =	shalt  }
0x66: {  	_ =	shalt  }
0x67: {  	_ =	shalt  }
0x68: {  	_ =	shalt  }
0x69: {  	_ =	shalt  }
0x6a: {  	_ =	shalt  }
0x6b: {  	_ =	shalt  }
0x6c: {  	_ =	shalt  }
0x6d: {  	_ =	shalt  }
0x6e: {  	_ =	shalt  }
0x6f: {  	_ =	shalt  }
0x70: {  	_ =	shalt  }
0x71: {  	_ =	shalt  }
0x72: {  	_ =	shalt  }
0x73: {  	_ =	shalt  }
0x74: {  	_ =	shalt  }
0x75: {  	_ =	shalt  }
0x76: {  	_ =	shalt  }
0x77: {  	_ =	shalt  }
0x78: {  	_ =	shalt  }
0x79: {  	_ =	shalt  }
0x7a: {  	_ =	shalt  }
0x7b: {  	_ =	shalt  }
0x7c: {  	_ =	shalt  }
0x7d: {  	_ =	shalt  }
0x7e: {  	_ =	shalt  }
0x7f: {  	_ =	shalt  }
0x80: {  	_ =	shalt  }
0x81: {  	_ =	shalt  }
0x82: {  	_ =	shalt  }
0x83: {  	_ =	shalt  }
0x84: {  	_ =	shalt  }
0x85: {  	_ =	shalt  }
0x86: {  	_ =	shalt  }
0x87: {  	_ =	shalt  }
.Lfunc_end0:
.L_simem_size_0:
called_computation.2_lowered:
.L_overlay_start_0:
0x88: {  	s2 =	sld [smem:$0x3FD9]  }
0x89: {  	s3 =	sld [smem:$0x3FFE];
	_ =	sdelay $0x1  }
0x8a: {  	s1 =	srdreg.scid  }
0x8b: {  	s0 =	sand.u32 $0x1, s1  }
0x8c: {  	s16 =	sshll.u32 s0, $0xA;
	s2 =	sadd.s32 s3, s2  }
0x8d: {  	s2 =	sadd.s32 s2, s16  }
0x8e: {  	[smem:$0x3FC2] =	sst s2  }
0x8f: {  	_ = 	snop  }
0x90: {  	(tm) =	ssettm $0x1  }
0x91: {  	s17 =	sld [smem:$0x3FFB];
	_ =	sdelay $0x3  }
0x92: {  	_ =	strace s17  }
0x93: {  	s2 =	sld [smem:$0x3FFC];
	_ =	sdelay $0x3  }
0x94: {  	_ =	strace s2  }
0x95: {  	s2 =	sld [smem:$0x3FFD];
	_ =	sdelay $0x3  }
0x96: {  	_ =	strace s2  }
0x97: {  	_ =	strace $0x8FFFFFFF  }
0x98: {  	s18 =	sld [smem:$0x3FDB];
	_ =	sdelay $0x1  }
0x99: {  	s19 =	simm.s32 $_scs_section_size  }
0x9a: {  	s4 =	simm.s32 $_size__tile_overlayer_lowered;
	s5 =	simm.s32 $_tile_overlayer_lowered  }
0x9b: {  	s22 =	simm.s32 $0x1BFF;
	s21 =	sshll.u32 s5, $0x1;
	s2 =	sadd.s32 s19, s18  }
0x9c: {  	s6 =	simm.s32 $0x0;
	s20 =	sshll.u32 s4, $0x1;
	s4 =	sadd.s32 s21, s2  }
0x9d: {  	[timem:s6], [sflag:s22] =	dma.local [hbm:s4], s20  }
0x9e: {  	_ =	swait.ge [sflag:s22], s20  }
0x9f: {  	s3 =	ssub.s32 $0x0, s20;
	[sflag:s22] =	ssyncset.done $0x0  }
0xa0: {  	[sflag:s22] =	ssyncadd.s32 s3;
	_ =	sdelay $0x1  }
0xa1: {  	s23 =	simm.s32 $0x1B8B  }
0xa2: {  	_ =	swait.ge [sflag:s23], $0x1  }
0xa3: {  	[sflag:s23] =	ssyncset.done $0x0  }
0xa4: {  	s25 =	simm.s32 $0x1B8E;
	s24 =	sld [smem:$0x3FFE];
	[sflag:s23] =	ssyncadd.s32 $0xFFFFFFFF  }
0xa5: {  	s26 =	simm.s32 $execute0_lowered;
	[smem:$0x3FD2] =	sst s25  }
0xa6: {  	s4 =	sshll.u32 s26, $0x1;
	_ =	strace $0x8000004C;
	[dreg:$0x1] =	wrdreg $0xFFFFFFFF  }
0xa7: {  	s28 =	simm.s32 $_size_execute0_lowered;
	s2 =	sadd.s32 s2, s4;
	[dreg:$0x0] =	wrdreg $0x0  }
0xa8: {  	s4 =	sshll.u32 s28, $0x1;
	[dreg:$0x2] =	wrdreg s2  }
0xa9: {  	[dreg:$0x3] =	wrdreg s4  }
0xaa: {  	[dreg:$0x4] =	wrdreg $0xC0  }
0xab: {  	_ =	task [dreg:s6], $0x5FFFF  }
0xac: {  	[dreg:$0x1] =	wrdreg $0xFFFFFFFF  }
0xad: {  	[dreg:$0x0] =	wrdreg $0x60  }
0xae: {  	[dreg:$0x2] =	wrdreg s24  }
0xaf: {  	[dreg:$0x3] =	wrdreg $0x9000  }
0xb0: {  	[dreg:$0x4] =	wrdreg $0x9  }
0xb1: {  	_ =	task.clear_ibuf [dreg:s6], $0x5FFFF;
	_ =	strace $0x9000004C  }
0xb2: {  	s29 =	simm.s32 $0x9;
	_ =	strace $0x8000004E  }
0xb3: {  	_ =	swait.ge [sflag:s29], $0x1  }
0xb4: {  	[sflag:s29] =	ssyncadd.s32 $0xFFFFFFFF  }
0xb5: {  	_ =	strace $0x9000004E  }
0xb6: {  	_ =	sfence  }
0xb7: {  	s30 =	sld [smem:$0x0];
	_ =	sdelay $0x2  }
0xb8: {  	s31 =	sshll.u32 s1, $0xD;
	s1 =	sshrl.u32 s1, $0x2  }
0xb9: {  	s3 =	sand.u32 $0x4000, s31;
	s1 =	sadd.s32 s1, s30  }
0xba: {  	s0 =	sor.u32 s3, s0;
	s1 =	sshll.u32 s1, $0x11  }
0xbb: {  	s0 =	sor.u32 s1, s0  }
0xbc: {  	s0 =	sadd.s32 $0x8F2B, s0  }
0xbd: {  	[sflag:s0] =	ssyncadd.remote.s32 $0x1  }
0xbe: {  	_ =	sfence.sel $0xFFFF  }
0xbf: {  	[dreg:$0x0] =	wrdreg $0xFFFFFFFF;
	(pc) =	sbr.abs _section_cstart, $3  }
0xc0: {  	[dreg:$0x1] =	wrdreg $0xFFFFFFFF  }
0xc1: {  	_ =	task.clear_ibuf [dreg:s6], $0x2FFFF;
	_ =	strace $0x9FFFFFFF  }
0xc2: {  	(tm) =	ssettm $0x7FFFFFFF  }
0xc3: {  	_ =	shalt  }
tec
execute0_lowered:
.L_overlay_start_1:
0x0: {  	(tag) =	ssettag $0x1  }
0x1: {  	s1 =	srdreg.scid;
	s8 =	rddreg [dreg:$0x0]  }
0x2: {  	s0 =	stileid.u32;
	s2 =	rddreg [dreg:$0x1];
	s3 =	simm.s32 $0x0  }
0x3: {  	s13 =	simm.s32 $0x11800;
	s14 =	simm.s32 $0x100;
	s15 =	simm.s32 $0x1  }
0x4: {  	s5 =	sand.u32 $0x1, s1;
	s4 =	smul.u32 $0x4F00, s0;
	s1 =	rddreg [dreg:$0x2]  }
0x5: {  	s16 =	simm.s32 $0x0;
	[smem:$0x7FF] =	sst s3;
	s7 =	smul.u32 $0x2800, s0  }
0x6: {  	s31 =	sshll.u32 s0, $0x6;
	s6 =	smul.u32 $0x2780, s5;
	s30 =	ssub.s32 $0x2, s5  }
0x7: {  	_ =	strace $0x8000004D;
	p0 =	seq.s32 s5, $0x1;
	s9 =	sshrl.u32 s30, $0x1  }
0x8: {  	s11 =	sadd.s32 s7, s2;
	s12 =	sshrl.u32 s7, $0x3;
	s13 =	simm.s32 @!p0 $0x16800  }
0x9: {  	s4 =	sadd.s32 s6, s4;
	s9 =	ssub.s32 s30, s9;
	s6 =	sor.u32 $0x1C02, s31  }
0xa: {  	s11 =	sshrl.u32 s11, $0x3;
	s4 =	sshrl.u32 s4, $0x3;
	s7 =	smax.u32 s9, $0x1  }
0xb: {  	s10 =	sadd.s32 s4, s8;
	s4 =	sadd.s32 $0xC800, s8;
	s8 =	sadd.s32 s13, s8  }
0xc: {  	s13 =	simm.s32 $0x80;
	s5 =	sadd.s32 s4, s12;
	s8 =	sadd.s32 s8, s12  }
0xd: {  	s9 =	sadd.s32 $0x2A00, s10;
	s10 =	sadd.s32 $0x1B800, s10;
	s12 =	simm.s32 $0x2  }
.LBB2_1:
0xe: {  	[spmem:s11], [sflag:s6] =	dma.local [hbm:s5], $0x500  }
0xf: {  	_ =	swait.ge [sflag:s12], $0x500  }
0x10: {  	[sflag:s12] =	ssyncset.done $0x0  }
0x11: {  	[sflag:s12] =	ssyncadd.s32 $0xFFFFFB00  }
0x12: {  	s17 =	sadd.s32 $0x0, s10;
	[bflag:$0x0] =	sbarrier.arrive $0xFFFF  }
0x13: {  	[tilespmem:s3], [sflag:$0x2] =	stream.linear.gather [hbm4b:s17+s3], $0x80, $0x38;
	[tilespmem:$0x3100] =	vst v63  }
0x14: {  	_ =	swait.ge [sflag:s12], $0x80  }
0x15: {  	[sflag:s12] =	ssyncset.done $0x0  }
0x16: {  	s31 =	sadd.s32 $0x0, s9;
	[sflag:s12] =	ssyncadd.s32 $0xFFFFFF80  }
0x17: {  	[tilespmem:s13], [sflag:$0x2] =	stream.linear.gather [hbm4b:s31+s3], $0x80, $0x38;
	[tilespmem:$0x3100] =	vst v63  }
0x18: {  	_ =	swait.ge [sflag:s12], $0x80  }
0x19: {  	[sflag:s12] =	ssyncset.done $0x0  }
0x1a: {  	[sflag:s12] =	ssyncadd.s32 $0xFFFFFF80  }
0x1b: {  	[tilespmem:s14], [sflag:$0x1] =	stream.indirect.gather [hbm4b:s4+s13], $0x10, s3, s13, $0xb8;
	[tilespmem:$0x3100] =	vst v63  }
0x1c: {  	_ =	swait.ge [sflag:s15], $0x800  }
0x1d: {  	[sflag:s15] =	ssyncset.done $0x0  }
0x1e: {  	[sflag:s15] =	ssyncadd.s32 $0xFFFFF800  }
0x1f: {  	[spmem:s2] =	stream.indirect.scatter.add.f32 [tilespmem:s14], [sflag:$0x2], $0x10, s13, s13, $0xb8;
	[tilespmem:$0x3100] =	vst v63  }
0x20: {  	_ =	swait.ge [sflag:s12], $0x800  }
0x21: {  	s18 =	simm.s32 $0x20;
	s17 =	simm.s32 $0x10;
	[sflag:s12] =	ssyncset.done $0x0  }
.LBB2_2:
0x22: {  	s19 =	sadd.s32 s17, s10  }
0x23: {  	[sflag:s12] =	ssyncadd.s32 $0xFFFFF800;
	s20 =	smov.u32 s18;
	s21 =	sadd.s32 $0x10, s18  }
0x24: {  	[tilespmem:s3], [sflag:$0x2] =	stream.linear.gather [hbm4b:s19+s3], $0x80, $0x38;
	[tilespmem:$0x3100] =	vst v63  }
0x25: {  	p0 =	sne.s32 s18, $0x4E0;
	_ =	swait.ge [sflag:s12], $0x80  }
0x26: {  	[sflag:s12] =	ssyncset.done $0x0  }
0x27: {  	s18 =	sadd.s32 s17, s9;
	s17 =	smov.u32 s20;
	[sflag:s12] =	ssyncadd.s32 $0xFFFFFF80  }
0x28: {  	[tilespmem:s13], [sflag:$0x2] =	stream.linear.gather [hbm4b:s18+s3], $0x80, $0x38;
	[tilespmem:$0x3100] =	vst v63  }
0x29: {  	_ =	swait.ge [sflag:s12], $0x80  }
0x2a: {  	[sflag:s12] =	ssyncset.done $0x0  }
0x2b: {  	[sflag:s12] =	ssyncadd.s32 $0xFFFFFF80  }
0x2c: {  	[tilespmem:s14], [sflag:$0x1] =	stream.indirect.gather [hbm4b:s4+s13], $0x10, s3, s13, $0xb8;
	[tilespmem:$0x3100] =	vst v63  }
0x2d: {  	_ =	swait.ge [sflag:s15], $0x800  }
.Ltmp0:
0x2e: {  	[sflag:s15] =	ssyncset.done $0x0;
	(pc) =	sbr.rel @p0 .LBB2_2-.Ltmp0, $4  }
0x2f: {  	[sflag:s15] =	ssyncadd.s32 $0xFFFFF800  }
0x30: {  	[spmem:s2] =	stream.indirect.scatter.add.f32 [tilespmem:s14], [sflag:$0x2], $0x10, s13, s13, $0xb8;
	[tilespmem:$0x3100] =	vst v63  }
0x31: {  	_ =	swait.ge [sflag:s12], $0x800  }
0x32: {  	s18 =	smov.u32 s21;
	[sflag:s12] =	ssyncset.done $0x0  }
0x33: {  	s18 =	sadd.s32 s17, s10;
	[sflag:s12] =	ssyncadd.s32 $0xFFFFF800  }
0x34: {  	[tilespmem:s3], [sflag:$0x2] =	stream.linear.gather [hbm4b:s18+s3], $0x80, $0x38;
	[tilespmem:$0x3100] =	vst v63  }
0x35: {  	_ =	swait.ge [sflag:s12], $0x80  }
0x36: {  	[sflag:s12] =	ssyncset.done $0x0  }
0x37: {  	s31 =	sadd.s32 s17, s9;
	[sflag:s12] =	ssyncadd.s32 $0xFFFFFF80  }
0x38: {  	[tilespmem:s13], [sflag:$0x2] =	stream.linear.gather [hbm4b:s31+s3], $0x80, $0x38;
	[tilespmem:$0x3100] =	vst v63  }
0x39: {  	_ =	swait.ge [sflag:s12], $0x80  }
0x3a: {  	[sflag:s12] =	ssyncset.done $0x0  }
0x3b: {  	[sflag:s12] =	ssyncadd.s32 $0xFFFFFF80  }
0x3c: {  	[tilespmem:s14], [sflag:$0x1] =	stream.indirect.gather [hbm4b:s4+s13], $0x10, s3, s13, $0xb8;
	[tilespmem:$0x3100] =	vst v63  }
0x3d: {  	_ =	swait.ge [sflag:s15], $0x800  }
0x3e: {  	[sflag:s15] =	ssyncset.done $0x0  }
0x3f: {  	[sflag:s15] =	ssyncadd.s32 $0xFFFFF800  }
0x40: {  	[spmem:s2] =	stream.indirect.scatter.add.f32 [tilespmem:s14], [sflag:$0x2], $0x10, s13, s13, $0xb8;
	[tilespmem:$0x3100] =	vst v63  }
0x41: {  	_ =	swait.ge [sflag:s12], $0x800  }
0x42: {  	s16 =	sadd.s32 $0x1, s16;
	[sflag:s12] =	ssyncset.done $0x0  }
0x43: {  	p0 =	sne.s32 s16, s7;
	[sflag:s12] =	ssyncadd.s32 $0xFFFFF800  }
.Ltmp1:
0x44: {  	[bflag:$0x0] =	sbarrier.arrive $0xFFFF;
	(pc) =	sbr.rel @p0 .LBB2_1-.Ltmp1, $4  }
0x45: {  	[hbm:s8], [sflag:s6] =	dma.local [spmem:s11], $0x500  }
0x46: {  	_ =	swait.ge [sflag:s12], $0x500  }
0x47: {  	[sflag:s12] =	ssyncset.done $0x0  }
0x48: {  	[sflag:s12] =	ssyncadd.s32 $0xFFFFFB00  }
0x49: {  	_ =	sfence.sel $0x180000  }
0x4a: {  	[bflag:$0x0] =	sbarrier.arrive $0xFFFF  }
0x4b: {  	p0 =	sne.s32 s0, $0x0;
	_ =	strace $0x9000004D  }
0x4c: {  	s0 =	sadd.s32 @!p0 $0x100000, s1;
	[bflag:$0x2] =	sbarrier.arrive $0xFFFF  }
0x4d: {  	[sflag:s0] =	ssyncadd.tile.s32 @!p0 $0x1;
	_ =	shalt  }
.Lfunc_end2:
_tile_overlayer_lowered:
.L_overlay_start_2:
0x4e: {  	(tag) =	ssettag $0x2  }
0x4f: {  	s0 =	rddreg [dreg:$0x0];
	s2 =	stileid.u32  }
0x50: {  	s1 =	rddreg [dreg:$0x1];
	p0 =	sne.s32 s2, $0x0  }
0x51: {  	s3 =	rddreg [dreg:$0x2];
	[bflag:$0x3] =	sbarrier.arrive $0xFFFF;
	s2 =	simm.s32 @!p0 $0x1C02  }
0x52: {  	[timem:s3], [sflag:s2] =	dma.local @!p0 [hbm:s0], s1  }
0x53: {  	s0 =	simm.s32 @!p0 $0x2  }
0x54: {  	_ =	swait.ge @!p0 [sflag:s0], s1  }
0x55: {  	s1 =	ssub.s32 @!p0 $0x0, s1;
	[sflag:s0] =	ssyncset.done @!p0 $0x0  }
0x56: {  	[sflag:s0] =	ssyncadd.s32 @!p0 s1  }
0x57: {  	[bflag:$0x3] =	sbarrier.arrive $0xFFFF  }
0x58: {  	_ =	shalt  }

// kernel: kernel.8.cloned.1.call-start
scs
__scs_entry_jumppad:
0x0: {  	(pc) =	sbr.rel $0x88, $3  }
0x1: {  	(tag) =	ssettag $0x0;
	lr =	simm.s32 $0x1  }
0x2: {  	[smem:$0x3F9B] =	sst lr;
	_ =	strace $0xD0000000  }
0x3: {  	_ = 	snop  }
0x4: {  	_ = 	snop  }
0x5: {  	_ = 	snop  }
0x6: {  	_ = 	snop  }
0x7: {  	_ = 	snop  }
__scs_overlays_trampoline_lowered:
0x8: {  	[smem:$0x3FAA] =	sst s0  }
0x9: {  	[smem:$0x3FAB] =	sst s1  }
0xa: {  	[smem:$0x3FAC] =	sst s2  }
0xb: {  	[smem:$0x3FAD] =	sst s3  }
0xc: {  	[smem:$0x3FAE] =	sst s4  }
0xd: {  	[smem:$0x3FAF] =	sst s5  }
0xe: {  	[smem:$0x3FB0] =	sst s6  }
0xf: {  	[smem:$0x3FB1] =	sst s7  }
0x10: {  	[smem:$0x3FB2] =	sst s8  }
0x11: {  	[smem:$0x3FB3] =	sst s9;
	s0 =	simm.s32 @!p0 $0x0  }
0x12: {  	s1 =	sld [smem:$0x3F99];
	s0 =	simm.s32 @p0 $0x1  }
0x13: {  	[smem:$0x3FB4] =	sst s0;
	s0 =	simm.s32 @!p1 $0x0  }
0x14: {  	s2 =	sld [smem:$0x3F98];
	s0 =	simm.s32 @p1 $0x1  }
0x15: {  	[smem:$0x3FB5] =	sst s0;
	s0 =	simm.s32 @!p2 $0x0  }
0x16: {  	s3 =	sld [smem:$0x3FDB];
	s0 =	simm.s32 @p2 $0x1  }
0x17: {  	s4 =	simm.s32 $0x1BF5;
	[smem:$0x3FB7] =	sst s0  }
0x18: {  	s0 =	sld [smem:$0x3F9A];
	_ =	swait.ge [sflag:s4], $0x0  }
0x19: {  	s7 =	sld [smem:$0x3F9B]  }
0x1a: {  	s8 =	sadd.s32 $0xFFFFE003, lr  }
0x1b: {  	s9 =	sadd.s32 $0xFFFFFEF7, lr;
	s5 =	simm.s32 $0xFFFFFFFF;
	p2 =	slt.u32 s8, $0xFFFFF086  }
0x1c: {  	p1 =	slt.u32 s9, $0xF7A;
	s5 =	simm.s32 @!p2 $0x0  }
0x1d: {  	s5 =	simm.s32 @p1 $0x1;
	p0 =	seq.s32 s7, s2  }
0x1e: {  	s7 =	smul.u32 @!p0 $0xF7A, s2;
	p2 =	seq.s32 @!p0 s5, $0x0  }
0x1f: {  	s9 =	smul.u32 $0xF7A, s1;
	s8 =	simm.s32 @!p0 $0x1BF5;
	p2 =	por !p2, p0  }
0x20: {  	[sflag:s8] =	ssyncset.s32 @!p0 $0xFFFFF086;
	s6 =	sadd.s32 @!p0 s3, s7;
	s7 =	simm.s32 @!p0 $0x108  }
0x21: {  	s3 =	sadd.s32 s3, s9;
	s6 =	sadd.s32 @!p0 $0x88, s6;
	s7 =	simm.s32 @p2 $0x1082  }
0x22: {  	[simem:s7], [sflag:s8] =	dma.local @!p0 [hbm:s6], $0xF7A  }
0x23: {  	s9 =	sor.u32 $0xD0000000, s2;
	s6 =	simm.s32 $0x108;
	_ =	swait.ge @!p0 [sflag:s8], $0x0  }
0x24: {  	s3 =	sadd.s32 $0x88, s3;
	s6 =	simm.s32 @!p1 $0x1082;
	[sflag:s4] =	ssyncset.s32 $0xFFFFF086  }
0x25: {  	[simem:s6], [sflag:s4] =	dma.local [hbm:s3], $0xF7A  }
0x26: {  	[smem:$0x3F9B] =	sst s1;
	(tag) =	ssettag s2;
	_ =	strace s9  }
0x27: {  	s1 =	sld [smem:$0x3FAB]  }
0x28: {  	s2 =	sld [smem:$0x3FAC]  }
0x29: {  	s4 =	sld [smem:$0x3FAE]  }
0x2a: {  	p0 =	seq.s32 s5, $0x0;
	s5 =	sld [smem:$0x3FAF]  }
0x2b: {  	s6 =	sld [smem:$0x3FB0]  }
0x2c: {  	s7 =	sld [smem:$0x3FB1]  }
0x2d: {  	s3 =	simm.s32 $0x108;
	s8 =	sld [smem:$0x3FB2]  }
0x2e: {  	s3 =	simm.s32 @!p0 $0x1082;
	s9 =	sld [smem:$0x3FB3]  }
0x2f: {  	lr =	sadd.s32 s0, s3;
	s0 =	sld [smem:$0x3FAA]  }
0x30: {  	s3 =	sld [smem:$0x3FAD]  }
0x31: {  	[smem:$0x3FB6] =	sst s10  }
0x32: {  	s10 =	sld [smem:$0x3FB4];
	_ =	sdelay $0x3  }
0x33: {  	p0 =	seq.s32 s10, $0x1;
	s10 =	sld [smem:$0x3FB6];
	_ =	sdelay $0x3  }
0x34: {  	[smem:$0x3FB6] =	sst s10  }
0x35: {  	s10 =	sld [smem:$0x3FB5];
	_ =	sdelay $0x3  }
0x36: {  	p1 =	seq.s32 s10, $0x1;
	s10 =	sld [smem:$0x3FB6];
	_ =	sdelay $0x3  }
0x37: {  	[smem:$0x3FB6] =	sst s10  }
0x38: {  	s10 =	sld [smem:$0x3FB7]  }
0x39: {  	_ = 	snop;
	(pc) =	sbr.ind lr, $3  }
0x3a: {  	_ = 	snop  }
0x3b: {  	_ = 	snop  }
0x3c: {  	p2 =	seq.s32 s10, $0x1;
	s10 =	sld [smem:$0x3FB6]  }
0x3d: {  	_ =	shalt  }
0x3e: {  	_ =	shalt  }
0x3f: {  	_ =	shalt  }
0x40: {  	_ =	shalt  }
0x41: {  	_ =	shalt  }
0x42: {  	_ =	shalt  }
0x43: {  	_ =	shalt  }
0x44: {  	_ =	shalt  }
0x45: {  	_ =	shalt  }
0x46: {  	_ =	shalt  }
0x47: {  	_ =	shalt  }
0x48: {  	_ =	shalt  }
0x49: {  	_ =	shalt  }
0x4a: {  	_ =	shalt  }
0x4b: {  	_ =	shalt  }
0x4c: {  	_ =	shalt  }
0x4d: {  	_ =	shalt  }
0x4e: {  	_ =	shalt  }
0x4f: {  	_ =	shalt  }
0x50: {  	_ =	shalt  }
0x51: {  	_ =	shalt  }
0x52: {  	_ =	shalt  }
0x53: {  	_ =	shalt  }
0x54: {  	_ =	shalt  }
0x55: {  	_ =	shalt  }
0x56: {  	_ =	shalt  }
0x57: {  	_ =	shalt  }
0x58: {  	_ =	shalt  }
0x59: {  	_ =	shalt  }
0x5a: {  	_ =	shalt  }
0x5b: {  	_ =	shalt  }
0x5c: {  	_ =	shalt  }
0x5d: {  	_ =	shalt  }
0x5e: {  	_ =	shalt  }
0x5f: {  	_ =	shalt  }
0x60: {  	_ =	shalt  }
0x61: {  	_ =	shalt  }
0x62: {  	_ =	shalt  }
0x63: {  	_ =	shalt  }
0x64: {  	_ =	shalt  }
0x65: {  	_ =	shalt  }
0x66: {  	_ =	shalt  }
0x67: {  	_ =	shalt  }
0x68: {  	_ =	shalt  }
0x69: {  	_ =	shalt  }
0x6a: {  	_ =	shalt  }
0x6b: {  	_ =	shalt  }
0x6c: {  	_ =	shalt  }
0x6d: {  	_ =	shalt  }
0x6e: {  	_ =	shalt  }
0x6f: {  	_ =	shalt  }
0x70: {  	_ =	shalt  }
0x71: {  	_ =	shalt  }
0x72: {  	_ =	shalt  }
0x73: {  	_ =	shalt  }
0x74: {  	_ =	shalt  }
0x75: {  	_ =	shalt  }
0x76: {  	_ =	shalt  }
0x77: {  	_ =	shalt  }
0x78: {  	_ =	shalt  }
0x79: {  	_ =	shalt  }
0x7a: {  	_ =	shalt  }
0x7b: {  	_ =	shalt  }
0x7c: {  	_ =	shalt  }
0x7d: {  	_ =	shalt  }
0x7e: {  	_ =	shalt  }
0x7f: {  	_ =	shalt  }
0x80: {  	_ =	shalt  }
0x81: {  	_ =	shalt  }
0x82: {  	_ =	shalt  }
0x83: {  	_ =	shalt  }
0x84: {  	_ =	shalt  }
0x85: {  	_ =	shalt  }
0x86: {  	_ =	shalt  }
0x87: {  	_ =	shalt  }
.Lfunc_end0:
.L_simem_size_0:
called_computation_lowered:
.L_overlay_start_0:
0x88: {  	s2 =	sld [smem:$0x3FD9]  }
0x89: {  	s3 =	sld [smem:$0x3FFE];
	_ =	sdelay $0x1  }
0x8a: {  	s1 =	srdreg.scid  }
0x8b: {  	s0 =	sand.u32 $0x1, s1  }
0x8c: {  	s17 =	sshll.u32 s0, $0xA;
	s2 =	sadd.s32 s3, s2  }
0x8d: {  	s2 =	sadd.s32 s2, s17  }
0x8e: {  	[smem:$0x3FC2] =	sst s2  }
0x8f: {  	_ = 	snop  }
0x90: {  	s2 =	sld [smem:$0x3FD0];
	(tm) =	ssettm $0x1  }
0x91: {  	s18 =	sld [smem:$0x3FFB];
	_ =	sdelay $0x3  }
0x92: {  	_ =	strace s18  }
0x93: {  	s3 =	sld [smem:$0x3FFC];
	_ =	sdelay $0x3  }
0x94: {  	_ =	strace s3  }
0x95: {  	s3 =	sld [smem:$0x3FFD];
	_ =	sdelay $0x3  }
0x96: {  	_ =	strace s3  }
0x97: {  	_ =	strace $0x8FFFFFFF  }
0x98: {  	s19 =	sld [smem:$0x3FDB];
	_ =	sdelay $0x1  }
0x99: {  	s4 =	simm.s32 $_scs_section_size  }
0x9a: {  	s5 =	simm.s32 $_size__tile_overlayer_lowered;
	s6 =	simm.s32 $_tile_overlayer_lowered  }
0x9b: {  	s22 =	simm.s32 $0x1BFF;
	s21 =	sshll.u32 s6, $0x1;
	s3 =	sadd.s32 s4, s19  }
0x9c: {  	s7 =	simm.s32 $0x0;
	s20 =	sshll.u32 s5, $0x1;
	s5 =	sadd.s32 s21, s3  }
0x9d: {  	[timem:s7], [sflag:s22] =	dma.local [hbm:s5], s20  }
0x9e: {  	_ =	swait.ge [sflag:s22], s20  }
0x9f: {  	s4 =	ssub.s32 $0x0, s20;
	[sflag:s22] =	ssyncset.done $0x0  }
0xa0: {  	[sflag:s22] =	ssyncadd.s32 s4;
	_ =	sdelay $0x1  }
0xa1: {  	s23 =	simm.s32 $0x1B8B  }
0xa2: {  	_ =	swait.ge [sflag:s23], $0x1  }
0xa3: {  	[sflag:s23] =	ssyncset.done $0x0  }
0xa4: {  	s25 =	simm.s32 $0x1B8E;
	s24 =	sld [smem:$0x3FFE];
	[sflag:s23] =	ssyncadd.s32 $0xFFFFFFFF  }
0xa5: {  	s26 =	simm.s32 $execute0_lowered;
	[smem:$0x3FD2] =	sst s25  }
0xa6: {  	s5 =	sshll.u32 s26, $0x1;
	_ =	strace $0x80000046;
	[dreg:$0x1] =	wrdreg $0xFFFFFFFF  }
0xa7: {  	s28 =	simm.s32 $_size_execute0_lowered;
	s3 =	sadd.s32 s3, s5;
	[dreg:$0x0] =	wrdreg $0x0  }
0xa8: {  	s5 =	sshll.u32 s28, $0x1;
	[dreg:$0x2] =	wrdreg s3  }
0xa9: {  	[dreg:$0x3] =	wrdreg s5  }
0xaa: {  	[dreg:$0x4] =	wrdreg $0xC0  }
0xab: {  	_ =	task [dreg:s7], $0x5FFFF  }
0xac: {  	[dreg:$0x1] =	wrdreg $0xFFFFFFFF  }
0xad: {  	[dreg:$0x0] =	wrdreg $0x60  }
0xae: {  	[dreg:$0x2] =	wrdreg s24  }
0xaf: {  	[dreg:$0x3] =	wrdreg s2  }
0xb0: {  	[dreg:$0x4] =	wrdreg $0x8800  }
0xb1: {  	[dreg:$0x5] =	wrdreg $0x9  }
0xb2: {  	_ =	task.clear_ibuf [dreg:s7], $0x6FFFF;
	_ =	strace $0x90000046  }
0xb3: {  	s29 =	simm.s32 $0x9;
	_ =	strace $0x80000048  }
0xb4: {  	_ =	swait.ge [sflag:s29], $0x1  }
0xb5: {  	[sflag:s29] =	ssyncadd.s32 $0xFFFFFFFF  }
0xb6: {  	_ =	strace $0x90000048  }
0xb7: {  	_ =	sfence  }
0xb8: {  	s30 =	sld [smem:$0x0];
	_ =	sdelay $0x2  }
0xb9: {  	s31 =	sshll.u32 s1, $0xD;
	s1 =	sshrl.u32 s1, $0x2  }
0xba: {  	s3 =	sand.u32 $0x4000, s31;
	s1 =	sadd.s32 s1, s30  }
0xbb: {  	s0 =	sor.u32 s3, s0;
	s1 =	sshll.u32 s1, $0x11  }
0xbc: {  	s0 =	sor.u32 s1, s0  }
0xbd: {  	s0 =	sadd.s32 $0x8F2B, s0  }
0xbe: {  	[sflag:s0] =	ssyncadd.remote.s32 $0x1  }
0xbf: {  	_ =	sfence.sel $0xFFFF  }
0xc0: {  	[dreg:$0x0] =	wrdreg $0xFFFFFFFF;
	(pc) =	sbr.abs _section_cstart, $3  }
0xc1: {  	[dreg:$0x1] =	wrdreg $0xFFFFFFFF  }
0xc2: {  	_ =	task.clear_ibuf [dreg:s7], $0x2FFFF;
	_ =	strace $0x9FFFFFFF  }
0xc3: {  	(tm) =	ssettm $0x7FFFFFFF  }
tec
execute0_lowered:
.L_overlay_start_1:
0x0: {  	(tag) =	ssettag $0x1  }
0x1: {  	s5 =	rddreg [dreg:$0x0]  }
0x2: {  	s2 =	rddreg [dreg:$0x1];
	s1 =	srdreg.scid  }
0x3: {  	s0 =	stileid.u32;
	s3 =	rddreg [dreg:$0x2]  }
0x4: {  	s4 =	simm.s32 $0x0;
	s12 =	simm.s32 $0x11800;
	s13 =	simm.s32 $0x0  }
0x5: {  	s6 =	sand.u32 $0x1, s1;
	s7 =	smul.u32 $0x4F00, s0;
	s1 =	rddreg [dreg:$0x3]  }
0x6: {  	[smem:$0x7FF] =	sst s4;
	s9 =	smul.u32 $0x2800, s0;
	s31 =	sshll.u32 s0, $0x6  }
0x7: {  	s8 =	smul.u32 $0x2780, s6;
	_ =	strace $0x80000047;
	s10 =	ssub.s32 $0x2, s6  }
0x8: {  	p0 =	seq.s32 s6, $0x1;
	s6 =	sor.u32 $0x1C01, s31;
	s26 =	sshrl.u32 s9, $0x3  }
0x9: {  	s28 =	sshrl.u32 s10, $0x1;
	s30 =	sadd.s32 s9, s3;
	s7 =	sadd.s32 s8, s7  }
0xa: {  	s12 =	simm.s32 @!p0 $0x16800;
	s8 =	sadd.s32 s26, s5;
	s7 =	sshrl.u32 s7, $0x3  }
0xb: {  	s29 =	ssub.s32 s10, s28;
	s10 =	sshrl.u32 s30, $0x3;
	s11 =	sadd.s32 s7, s5  }
0xc: {  	s5 =	sadd.s32 $0xC800, s8;
	s7 =	smax.u32 s29, $0x1;
	s8 =	sadd.s32 s12, s8  }
0xd: {  	s12 =	simm.s32 $0x80;
	s9 =	sadd.s32 $0x2A00, s11;
	s11 =	simm.s32 $0x1  }
.LBB2_1:
0xe: {  	[spmem:s10], [sflag:s6] =	dma.local [hbm:s5], $0x500  }
0xf: {  	_ =	swait.ge [sflag:s11], $0x500  }
0x10: {  	[sflag:s11] =	ssyncset.done $0x0  }
0x11: {  	[sflag:s11] =	ssyncadd.s32 $0xFFFFFB00  }
0x12: {  	[tilespmem:s12], [sflag:$0x1] =	stream.linear.gather [hbm4b:s2+s4], $0x800, $0x38;
	[tilespmem:$0x3080] =	vst v63  }
0x13: {  	_ =	swait.ge [sflag:s11], $0x800  }
0x14: {  	[sflag:s11] =	ssyncset.done $0x0  }
0x15: {  	[sflag:s11] =	ssyncadd.s32 $0xFFFFF800  }
0x16: {  	s14 =	sadd.s32 $0x0, s9;
	[bflag:$0x0] =	sbarrier.arrive $0xFFFF  }
0x17: {  	[tilespmem:s4], [sflag:$0x1] =	stream.linear.gather [hbm4b:s14+s4], $0x80, $0x38;
	[tilespmem:$0x3080] =	vst v63  }
0x18: {  	_ =	swait.ge [sflag:s11], $0x80  }
0x19: {  	[sflag:s11] =	ssyncset.done $0x0  }
0x1a: {  	[sflag:s11] =	ssyncadd.s32 $0xFFFFFF80  }
0x1b: {  	[spmem:s3] =	stream.indirect.scatter.add.f32 [tilespmem:s12], [sflag:$0x1], $0x10, s4, s12, $0xb8;
	[tilespmem:$0x3080] =	vst v63  }
0x1c: {  	_ =	swait.ge [sflag:s11], $0x800  }
0x1d: {  	s15 =	simm.s32 $0x20;
	s14 =	simm.s32 $0x10;
	[sflag:s11] =	ssyncset.done $0x0  }
.LBB2_2:
0x1e: {  	s16 =	sadd.s32 s14, s9  }
0x1f: {  	[sflag:s11] =	ssyncadd.s32 $0xFFFFF800;
	s14 =	smov.u32 s15;
	s17 =	sadd.s32 $0x10, s15  }
0x20: {  	[tilespmem:s4], [sflag:$0x1] =	stream.linear.gather [hbm4b:s16+s4], $0x80, $0x38;
	[tilespmem:$0x3080] =	vst v63  }
0x21: {  	p0 =	sne.s32 s15, $0x4E0;
	_ =	swait.ge [sflag:s11], $0x80  }
.Ltmp0:
0x22: {  	[sflag:s11] =	ssyncset.done $0x0;
	(pc) =	sbr.rel @p0 .LBB2_2-.Ltmp0, $4  }
0x23: {  	[sflag:s11] =	ssyncadd.s32 $0xFFFFFF80  }
0x24: {  	[spmem:s3] =	stream.indirect.scatter.add.f32 [tilespmem:s12], [sflag:$0x1], $0x10, s4, s12, $0xb8;
	[tilespmem:$0x3080] =	vst v63  }
0x25: {  	_ =	swait.ge [sflag:s11], $0x800  }
0x26: {  	s15 =	smov.u32 s17;
	[sflag:s11] =	ssyncset.done $0x0  }
0x27: {  	s14 =	sadd.s32 s14, s9;
	[sflag:s11] =	ssyncadd.s32 $0xFFFFF800  }
0x28: {  	[tilespmem:s4], [sflag:$0x1] =	stream.linear.gather [hbm4b:s14+s4], $0x80, $0x38;
	[tilespmem:$0x3080] =	vst v63  }
0x29: {  	_ =	swait.ge [sflag:s11], $0x80  }
0x2a: {  	[sflag:s11] =	ssyncset.done $0x0  }
0x2b: {  	[sflag:s11] =	ssyncadd.s32 $0xFFFFFF80  }
0x2c: {  	[spmem:s3] =	stream.indirect.scatter.add.f32 [tilespmem:s12], [sflag:$0x1], $0x10, s4, s12, $0xb8;
	[tilespmem:$0x3080] =	vst v63  }
0x2d: {  	_ =	swait.ge [sflag:s11], $0x800  }
0x2e: {  	s13 =	sadd.s32 $0x1, s13;
	[sflag:s11] =	ssyncset.done $0x0  }
0x2f: {  	p0 =	sne.s32 s13, s7;
	[sflag:s11] =	ssyncadd.s32 $0xFFFFF800  }
.Ltmp1:
0x30: {  	[bflag:$0x0] =	sbarrier.arrive $0xFFFF;
	(pc) =	sbr.rel @p0 .LBB2_1-.Ltmp1, $4  }
0x31: {  	[hbm:s8], [sflag:s6] =	dma.local [spmem:s10], $0x500  }
0x32: {  	_ =	swait.ge [sflag:s11], $0x500  }
0x33: {  	[sflag:s11] =	ssyncset.done $0x0  }
0x34: {  	[sflag:s11] =	ssyncadd.s32 $0xFFFFFB00  }
0x35: {  	_ =	sfence.sel $0x180000  }
0x36: {  	[bflag:$0x0] =	sbarrier.arrive $0xFFFF  }
0x37: {  	p0 =	sne.s32 s0, $0x0;
	_ =	strace $0x90000047  }
0x38: {  	s0 =	sadd.s32 @!p0 $0x100000, s1;
	[bflag:$0x2] =	sbarrier.arrive $0xFFFF  }
0x39: {  	[sflag:s0] =	ssyncadd.tile.s32 @!p0 $0x1;
	_ =	shalt  }
.Lfunc_end2:
_tile_overlayer_lowered:
.L_overlay_start_2:
0x3a: {  	(tag) =	ssettag $0x2  }
0x3b: {  	s0 =	rddreg [dreg:$0x0];
	s2 =	stileid.u32  }
0x3c: {  	s1 =	rddreg [dreg:$0x1];
	p0 =	sne.s32 s2, $0x0  }
0x3d: {  	s3 =	rddreg [dreg:$0x2];
	[bflag:$0x3] =	sbarrier.arrive $0xFFFF;
	s2 =	simm.s32 @!p0 $0x1C01  }
0x3e: {  	[timem:s3], [sflag:s2] =	dma.local @!p0 [hbm:s0], s1  }
0x3f: {  	s0 =	simm.s32 @!p0 $0x1  }
0x40: {  	_ =	swait.ge @!p0 [sflag:s0], s1  }
0x41: {  	s1 =	ssub.s32 @!p0 $0x0, s1;
	[sflag:s0] =	ssyncset.done @!p0 $0x0  }
0x42: {  	[sflag:s0] =	ssyncadd.s32 @!p0 s1  }
0x43: {  	[bflag:$0x3] =	sbarrier.arrive $0xFFFF  }
0x44: {  	_ =	shalt  }

</sc_bundles>
